<compile_context>
chip_gen: v7x
topology: tpu7x:2x2x1
jax: 0.10.2.dev20260603
libtpu: 0.0.44.dev20260713+nightly
codegen_flags: <defaults>
</compile_context>

<pallas_src>
import functools

import jax
import jax.numpy as jnp
from jax import lax
from jax.experimental import pallas as pl
from jax.experimental.pallas import tpu as pltpu
from jax.experimental.pallas import tpu_sc as plsc

N = 10000
NP = 10240
E = 128
C = 128
B = 2
NI = 160000
PER = NI // E
IPAD = 1280
NB = 2048
G = NP // NB
GAMMA = 4.2
HI = lax.Precision.HIGHEST


def _sc_build_counts(row0p):
    mesh = plsc.VectorSubcoreMesh(core_axis_name="c", subcore_axis_name="s")

    @functools.partial(
        pl.kernel,
        out_type=jax.ShapeDtypeStruct((E, NP), jnp.float32),
        mesh=mesh,
        scratch_types=[
            pltpu.VMEM((IPAD,), jnp.int32),
            pltpu.VMEM((NP,), jnp.float32),
        ],
        compiler_params=pltpu.CompilerParams(needs_layout_passes=False),
    )
    def abuild(row0p_hbm, a_hbm, idxv, rowv):
        cid = lax.axis_index("c")
        sid = lax.axis_index("s")
        wid = sid * 2 + cid

        def zero_body(q, carry):
            rowv[pl.ds(q * 16, 16)] = jnp.zeros((16,), jnp.float32)
            return carry

        lax.fori_loop(0, NP // 16, zero_body, 0)

        for j in range(E // 32):
            e = wid * (E // 32) + j
            pltpu.sync_copy(row0p_hbm.at[e], idxv)

            def scat_body(q, carry):
                idx = idxv[pl.ds(q * 16, 16)]
                plsc.addupdate_scatter(rowv, [idx], jnp.full((16,), 1.0, jnp.float32))
                return carry

            lax.fori_loop(0, IPAD // 16, scat_body, 0)
            pltpu.sync_copy(rowv, a_hbm.at[e])

            def rezero_body(q, carry):
                idx = idxv[pl.ds(q * 16, 16)]
                plsc.store_scatter(rowv, [idx], jnp.zeros((16,), jnp.float32))
                return carry

            lax.fori_loop(0, IPAD // 16, rezero_body, 0)

    return abuild(row0p)


def _attention_w(a_blk, nd_row, ed_col):
    raw = nd_row + ed_col
    a = jnp.where(raw > 0, raw, 0.2 * raw)
    m = jnp.max(jnp.where(a_blk > 0, jnp.broadcast_to(ed_col, a_blk.shape),
                          -1e30), axis=0, keepdims=True)
    nm = nd_row + m
    amax = jnp.where(nm > 0, nm, 0.2 * nm)
    ee = jnp.exp(jnp.minimum(a - amax, 60.0))
    ae = a_blk * ee
    s = jnp.sum(ae, axis=0, keepdims=True)
    inv_s = 1.0 / (s + 1e-16)
    return ae, inv_s


def _mega_body(x_ref, w_ref, att1_ref, att2_ref, a_ref,
               out_ref, drs_ref, loss_ref, ses_ref,
               xwsc, ndsc, essc, edsc, wdsc, outesc):
    p = pl.program_id(0)
    i = pl.program_id(1)

    @pl.when((p == 0) & (i == 0))
    def _init0():
        essc[...] = jnp.zeros_like(essc)
        drs_ref[...] = jnp.zeros_like(drs_ref)

    @pl.when(p == 0)
    def _phase_xw():
        a_blk = a_ref[...]
        a_bf = a_blk.astype(jnp.bfloat16)
        ones_r = jnp.full((1, C), 1.0, jnp.float32)
        rs_row = jnp.zeros((1, NB), jnp.float32)
        for b in range(B):
            xwb = jnp.dot(x_ref[b], w_ref[...],
                          preferred_element_type=jnp.float32)
            xwsc[b, i] = xwb
            ndsc[b, i] = lax.dot_general(
                att1_ref[...], xwb, (((1,), (1,)), ((), ())), precision=HI,
                preferred_element_type=jnp.float32)
            rs_row = rs_row + lax.dot_general(
                ones_r, xwb, (((1,), (1,)), ((), ())), precision=HI,
                preferred_element_type=jnp.float32)
            hi = xwb.astype(jnp.bfloat16)
            lo = (xwb - hi.astype(jnp.float32)).astype(jnp.bfloat16)
            essc[b] = (essc[b]
                       + jnp.dot(a_bf, hi, preferred_element_type=jnp.float32)
                       + jnp.dot(a_bf, lo, preferred_element_type=jnp.float32))
        d_row = jnp.sum(a_blk, axis=0, keepdims=True)
        drs_ref[...] = drs_ref[...] + lax.dot_general(
            d_row, rs_row, (((1,), (1,)), ((), ())), precision=HI,
            preferred_element_type=jnp.float32)

    @pl.when((p == 1) & (i == 0))
    def _init1():
        outesc[...] = jnp.zeros_like(outesc)
        for b in range(B):
            ed = jnp.dot(essc[b], att2_ref[...], precision=HI,
                         preferred_element_type=jnp.float32)
            edsc[b] = jnp.broadcast_to(ed, (E, C))
        ones_r = jnp.full((1, E), 1.0, jnp.float32)
        li_sum = jnp.zeros((E, E), jnp.float32)
        for b in range(B):
            esb = essc[b]
            g = lax.dot_general(esb, esb, (((1,), (1,)), ((), ())),
                                precision=HI, preferred_element_type=jnp.float32)
            es2 = esb * esb
            n2c = lax.dot_general(ones_r, es2, (((1,), (1,)), ((), ())),
                                  precision=HI, preferred_element_type=jnp.float32)
            n2r = lax.dot_general(es2, ones_r, (((1,), (1,)), ((), ())),
                                  precision=HI, preferred_element_type=jnp.float32)
            al = g / (jnp.sqrt(n2r) * jnp.sqrt(n2c))
            d2 = n2r + n2c - 2.0 * g
            dist = jnp.sqrt(jnp.maximum(d2, 0.0) + 1e-12)
            li_sum = li_sum + al * dist + (1.0 - al) * jnp.maximum(GAMMA - dist, 0.0)
        loss_ref[...] = jnp.sum(jnp.abs(li_sum * (1.0 / B)), axis=(0, 1),
                                keepdims=True) / float((E + 1) ** 2)
        ses_ref[...] = jnp.sum(essc[...], axis=(0, 1, 2),
                               keepdims=True).reshape(1, 1)

    @pl.when(p == 1)
    def _phase_w():
        a_blk = a_ref[...]
        ones_r = jnp.full((1, E), 1.0, jnp.float32)
        d_row = jnp.dot(ones_r, a_blk, precision=HI,
                        preferred_element_type=jnp.float32)
        for b in range(B):
            ae, inv_s = _attention_w(a_blk, ndsc[b, i], edsc[b][:, 0:1])
            wdsc[b, i] = (ae * (inv_s * d_row)).astype(jnp.bfloat16)
            outesc[b] = outesc[b] + (1.0 / PER) * jnp.dot(
                ae * inv_s, xwsc[b, i], preferred_element_type=jnp.float32)

    @pl.when(p == 2)
    def _phase_out():
        for b in range(B):
            out_ref[b] = lax.dot_general(
                wdsc[b, i], outesc[b].astype(jnp.bfloat16),
                (((0,), (0,)), ((), ())), preferred_element_type=jnp.float32)


def kernel(x, hyperedge_index, weight, att):
    row0 = hyperedge_index[0]
    row0p = jnp.concatenate(
        [row0.reshape(E, PER),
         jnp.full((E, IPAD - PER), NP - 1, jnp.int32)], axis=1)
    a_mat = _sc_build_counts(row0p)

    xp = jnp.pad(x, ((0, 0), (0, NP - N), (0, 0)))
    att1 = att[0, :, :C]
    att2c = att[0, 0, C:].reshape(C, 1)

    outp, drs, loss, ses = pl.pallas_call(
        _mega_body,
        grid=(3, G),
        in_specs=[
            pl.BlockSpec((B, NB, C),
                         lambda p, i: (0, jnp.where(p == 0, i, G - 1), 0)),
            pl.BlockSpec((C, C), lambda p, i: (0, 0)),
            pl.BlockSpec((1, C), lambda p, i: (0, 0)),
            pl.BlockSpec((C, 1), lambda p, i: (0, 0)),
            pl.BlockSpec((E, NB),
                         lambda p, i: (0, jnp.where(p == 2, G - 1, i))),
        ],
        out_specs=[
            pl.BlockSpec((B, NB, C),
                         lambda p, i: (0, jnp.where(p == 2, i, 0), 0)),
            pl.BlockSpec((1, 1), lambda p, i: (0, 0)),
            pl.BlockSpec((1, 1), lambda p, i: (0, 0)),
            pl.BlockSpec((1, 1), lambda p, i: (0, 0)),
        ],
        out_shape=[
            jax.ShapeDtypeStruct((B, NP, C), jnp.float32),
            jax.ShapeDtypeStruct((1, 1), jnp.float32),
            jax.ShapeDtypeStruct((1, 1), jnp.float32),
            jax.ShapeDtypeStruct((1, 1), jnp.float32),
        ],
        scratch_shapes=[
            pltpu.VMEM((B, G, NB, C), jnp.float32),
            pltpu.VMEM((B, G, 1, NB), jnp.float32),
            pltpu.VMEM((B, E, C), jnp.float32),
            pltpu.VMEM((B, E, C), jnp.float32),
            pltpu.VMEM((B, G, E, NB), jnp.bfloat16),
            pltpu.VMEM((B, E, C), jnp.float32),
        ],
    )(xp, weight, att1, att2c, a_mat)

    out = outp[:, :N, :]
    mean_diff = (drs[0, 0] - float(PER) * ses[0, 0]) / float(NI * B * C)
    constrain = jnp.abs(mean_diff) + loss[0, 0]
    return out, constrain

# --- scband reference (transcript-rebuilt; emitter-appended) ---
"""Pipeline reference for scband-model-13984413516353 (READ-ONLY COPY).

The authoritative reference and input builder live on the scoring server;
editing this copy changes nothing except your own understanding.
"""

import jax, jax.numpy as jnp
import numpy as np

N_NODES = 10000
N_EDGES = 128
N_INC = 160000
BATCH = 2
IN_CH = 128
OUT_CH = 128
GAMMA = 4.2
NEG_SLOPE = 0.2


def segment_softmax(a, seg, num_segments):
    amax = jax.ops.segment_max(a, seg, num_segments)
    amax = jnp.where(jnp.isfinite(amax), amax, 0.0)
    ex = jnp.exp(a - amax[seg])
    s = jax.ops.segment_sum(ex, seg, num_segments)
    return ex / (s[seg] + 1e-16)


def setup_inputs(seed: int = 0):
    key = jax.random.key(seed)
    k1, k2, k3, k4 = jax.random.split(key, 4)
    x = jax.random.normal(k1, (BATCH, N_NODES, IN_CH), dtype=jnp.float32)
    row0 = jax.random.randint(k2, (N_INC,), 0, N_NODES)
    row1 = jnp.sort(jnp.tile(jnp.arange(N_EDGES), N_INC // N_EDGES))
    hyperedge_index = jnp.stack([row0, row1]).astype(jnp.int32)
    weight = jax.random.normal(k3, (IN_CH, OUT_CH), dtype=jnp.float32) / np.sqrt(IN_CH)
    att = jax.random.normal(k4, (1, 1, 2 * OUT_CH), dtype=jnp.float32) * 0.1
    return {"x": x, "hyperedge_index": hyperedge_index, "weight": weight, "att": att}


def reference(x, hyperedge_index, weight, att):
    row0 = hyperedge_index[0]
    row1 = hyperedge_index[1]
    # x: [B, N, in_ch] -> linear -> transpose to node-major [N, B, out_ch]
    xw = jnp.matmul(x, weight)
    x1 = jnp.transpose(xw, (1, 0, 2))
    # gather per-incidence node features
    x_i = x1[row0]
    # per-hyperedge sums (replaces python dict accumulation; edge ids are sorted 0..M-1)
    edge_sums = jax.ops.segment_sum(x1[row0], row1, N_EDGES)
    x_j = edge_sums[row1]
    # pairwise hyperedge contrastive loss (vectorized double loop)
    inner = jnp.einsum('mbc,nbc->mnb', edge_sums, edge_sums)
    norms = jnp.linalg.norm(edge_sums, axis=-1)
    al = inner / (norms[:, None, :] * norms[None, :, :])
    diff = edge_sums[:, None, :, :] - edge_sums[None, :, :, :]
    dist = jnp.sqrt(jnp.sum(diff * diff, axis=-1) + 1e-12)
    loss_item = al * dist + (1.0 - al) * jnp.clip(GAMMA - dist, 0.0, None)
    loss_hyper = jnp.sum(jnp.abs(jnp.mean(loss_item, axis=-1))) / (N_EDGES + 1) ** 2
    # attention coefficients with segment softmax over destination nodes
    att_a = jnp.sum(jnp.concatenate([x_i, x_j], axis=-1) * att, axis=-1)
    att_a = jnp.where(att_a > 0, att_a, NEG_SLOPE * att_a)
    att_a = segment_softmax(att_a, row0, N_NODES)
    # degree norms
    D = jax.ops.segment_sum(jnp.ones(N_INC, jnp.float32), row0, N_NODES)
    deg_e = jax.ops.segment_sum(jnp.ones(N_INC, jnp.float32), row1, N_EDGES)
    Bn = jnp.where(deg_e > 0, 1.0 / deg_e, 0.0)
    # propagate node -> hyperedge (source_to_target, aggr=add)
    out_e = jax.ops.segment_sum(Bn[row1][:, None, None] * att_a[:, :, None] * x1[row0], row1, N_EDGES)
    # propagate hyperedge -> node (target_to_source, aggr=add)
    out_n = jax.ops.segment_sum(D[row0][:, None, None] * att_a[:, :, None] * out_e[row1], row0, N_NODES)
    out = jnp.transpose(out_n, (1, 0, 2))
    constrain = jnp.abs(jnp.mean(x_i - x_j)) + loss_hyper
    return out, constrain

if __name__ == "__main__":
    import jax
    _d = setup_inputs()
    print(jax.jit(kernel)(*tuple(_d.values())))

</pallas_src>

<mosaic_0001>
#map = affine_map<(d0, d1) -> (0, 0)>
module attributes {stable_mosaic.version = 14 : i64} {
  func.func @abuild(%arg0: i32, %arg1: i32, %arg2: memref<128x1280xi32, #tpu.memory_space<hbm>>, %arg3: memref<128x10240xf32, #tpu.memory_space<hbm>>, %arg4: memref<1280xi32, #tpu.memory_space<vmem>>, %arg5: memref<10240xf32, #tpu.memory_space<vmem>>) attributes {dimension_semantics = [#tpu.dimension_semantics<core_parallel>, #tpu.dimension_semantics<subcore_parallel>], iteration_bounds = array<i64: 2, 16>, scalar_prefetch = 0 : i64, scratch_operands = 2 : i64, tpu.core_type = #tpu.core_type<sc_vector_subcore>, window_params = [{transform_indices = #map}, {transform_indices = #map}]} {
    %mul3A = arith.constant 2 : i32
    %mul3A_0 = arith.muli %arg1, %mul3A : i32
    %add3A = arith.addi %mul3A_0, %arg0 : i32
    %scan3A = arith.constant 0 : i32
    %scan3A_1 = arith.constant 0 : i32
    %scan3A_2 = arith.constant 640 : i32
    %scan3A_3 = arith.addi %scan3A_1, %scan3A_2 : i32
    %scan3A_4 = arith.constant 1 : i32
    scf.for %scan3A_70 = %scan3A_1 to %scan3A_3 step %scan3A_4  : i32 {
      %broadcast_in_dim3A = arith.constant 0.000000e+00 : f32
      %broadcast_in_dim3A_71 = vector.broadcast %broadcast_in_dim3A : f32 to vector<16xf32>
      %mul3A_72 = arith.constant 16 : i32
      %mul3A_73 = arith.muli %scan3A_70, %mul3A_72 : i32
      %swap3A = arith.index_cast %mul3A_73 : i32 to index
      %swap3A_74 = tpu.vector_load %arg5[%swap3A] {strides = array<i32>} : memref<10240xf32, #tpu.memory_space<vmem>>, vector<16xf32>,
      tpu.vector_store %arg5[%swap3A], %broadcast_in_dim3A_71 {strides = array<i32>} : memref<10240xf32, #tpu.memory_space<vmem>>, vector<16xf32>,
    }
    %scan3A_5 = arith.constant 640 : i32
    %mul3A_6 = arith.constant 4 : i32
    %mul3A_7 = arith.muli %add3A, %mul3A_6 : i32
    %add3A_8 = arith.constant 0 : i32
    %add3A_9 = arith.addi %mul3A_7, %add3A_8 : i32
    "tpu.region"() ({
      %run_scoped3A = tpu.sem_alloc : memref<!tpu.dma_semaphore, #tpu.memory_space<semaphore_mem>>
      %dma_start3A = arith.constant 0 : i32
      %dma_start3A_70 = tpu.memref_slice %arg2[%add3A_9, %dma_start3A] : memref<128x1280xi32, #tpu.memory_space<hbm>> -> memref<1x1280xi32, #tpu.memory_space<hbm>>
      %dma_start3A_71 = tpu.memref_squeeze %dma_start3A_70 : memref<1x1280xi32, #tpu.memory_space<hbm>> -> memref<1280xi32, #tpu.memory_space<hbm>>
      %dma_start3A_72 = arith.constant 0 : i32
      %dma_start3A_73 = tpu.memref_slice %arg2[%add3A_9, %dma_start3A_72] : memref<128x1280xi32, #tpu.memory_space<hbm>> -> memref<1x1280xi32, #tpu.memory_space<hbm>>
      %dma_start3A_74 = tpu.memref_squeeze %dma_start3A_73 : memref<1x1280xi32, #tpu.memory_space<hbm>> -> memref<1280xi32, #tpu.memory_space<hbm>>
      tpu.enqueue_dma source(%dma_start3A_74 : memref<1280xi32, #tpu.memory_space<hbm>>) target(%arg4 : memref<1280xi32, #tpu.memory_space<vmem>>) target_semaphore(%run_scoped3A : memref<!tpu.dma_semaphore, #tpu.memory_space<semaphore_mem>>)
      %dma_wait3A = arith.constant 0 : i32
      %dma_wait3A_75 = tpu.memref_slice %arg2[%add3A_9, %dma_wait3A] : memref<128x1280xi32, #tpu.memory_space<hbm>> -> memref<1x1280xi32, #tpu.memory_space<hbm>>
      %dma_wait3A_76 = tpu.memref_squeeze %dma_wait3A_75 : memref<1x1280xi32, #tpu.memory_space<hbm>> -> memref<1280xi32, #tpu.memory_space<hbm>>
      %dma_wait3A_77 = arith.constant 0 : i32
      %dma_wait3A_78 = tpu.memref_slice %arg2[%add3A_9, %dma_wait3A_77] : memref<128x1280xi32, #tpu.memory_space<hbm>> -> memref<1x1280xi32, #tpu.memory_space<hbm>>
      %dma_wait3A_79 = tpu.memref_squeeze %dma_wait3A_78 : memref<1x1280xi32, #tpu.memory_space<hbm>> -> memref<1280xi32, #tpu.memory_space<hbm>>
      tpu.wait_dma2 semaphore(%run_scoped3A : memref<!tpu.dma_semaphore, #tpu.memory_space<semaphore_mem>>) src(%dma_wait3A_79 : memref<1280xi32, #tpu.memory_space<hbm>>) dst(%arg4 : memref<1280xi32, #tpu.memory_space<vmem>>)
      tpu.yield
    }) : () -> ()
    %scan3A_10 = arith.constant 0 : i32
    %scan3A_11 = arith.constant 0 : i32
    %scan3A_12 = arith.constant 80 : i32
    %scan3A_13 = arith.addi %scan3A_11, %scan3A_12 : i32
    %scan3A_14 = arith.constant 1 : i32
    scf.for %scan3A_70 = %scan3A_11 to %scan3A_13 step %scan3A_14  : i32 {
      %mul3A_71 = arith.constant 16 : i32
      %mul3A_72 = arith.muli %scan3A_70, %mul3A_71 : i32
      %get3A = arith.index_cast %mul3A_72 : i32 to index
      %get3A_73 = tpu.vector_load %arg4[%get3A] {strides = array<i32>} : memref<1280xi32, #tpu.memory_space<vmem>>, vector<16xi32>,
      %broadcast_in_dim3A = arith.constant 1.000000e+00 : f32
      %broadcast_in_dim3A_74 = vector.broadcast %broadcast_in_dim3A : f32 to vector<16xf32>
      tpu.vector_store_idx %arg5[%get3A_73], %broadcast_in_dim3A_74 {add = true} : memref<10240xf32, #tpu.memory_space<vmem>>[vector<16xi32>], vector<16xf32>,
    }
    %scan3A_15 = arith.constant 80 : i32
    "tpu.region"() ({
      %run_scoped3A = tpu.sem_alloc : memref<!tpu.dma_semaphore, #tpu.memory_space<semaphore_mem>>
      %dma_start3A = arith.constant 0 : i32
      %dma_start3A_70 = tpu.memref_slice %arg3[%add3A_9, %dma_start3A] : memref<128x10240xf32, #tpu.memory_space<hbm>> -> memref<1x10240xf32, #tpu.memory_space<hbm>>
      %dma_start3A_71 = tpu.memref_squeeze %dma_start3A_70 : memref<1x10240xf32, #tpu.memory_space<hbm>> -> memref<10240xf32, #tpu.memory_space<hbm>>
      %dma_start3A_72 = arith.constant 0 : i32
      %dma_start3A_73 = tpu.memref_slice %arg3[%add3A_9, %dma_start3A_72] : memref<128x10240xf32, #tpu.memory_space<hbm>> -> memref<1x10240xf32, #tpu.memory_space<hbm>>
      %dma_start3A_74 = tpu.memref_squeeze %dma_start3A_73 : memref<1x10240xf32, #tpu.memory_space<hbm>> -> memref<10240xf32, #tpu.memory_space<hbm>>
      tpu.enqueue_dma source(%arg5 : memref<10240xf32, #tpu.memory_space<vmem>>) target(%dma_start3A_74 : memref<10240xf32, #tpu.memory_space<hbm>>) target_semaphore(%run_scoped3A : memref<!tpu.dma_semaphore, #tpu.memory_space<semaphore_mem>>)
      %dma_wait3A = arith.constant 0 : i32
      %dma_wait3A_75 = tpu.memref_slice %arg3[%add3A_9, %dma_wait3A] : memref<128x10240xf32, #tpu.memory_space<hbm>> -> memref<1x10240xf32, #tpu.memory_space<hbm>>
      %dma_wait3A_76 = tpu.memref_squeeze %dma_wait3A_75 : memref<1x10240xf32, #tpu.memory_space<hbm>> -> memref<10240xf32, #tpu.memory_space<hbm>>
      %dma_wait3A_77 = arith.constant 0 : i32
      %dma_wait3A_78 = tpu.memref_slice %arg3[%add3A_9, %dma_wait3A_77] : memref<128x10240xf32, #tpu.memory_space<hbm>> -> memref<1x10240xf32, #tpu.memory_space<hbm>>
      %dma_wait3A_79 = tpu.memref_squeeze %dma_wait3A_78 : memref<1x10240xf32, #tpu.memory_space<hbm>> -> memref<10240xf32, #tpu.memory_space<hbm>>
      tpu.wait_dma2 semaphore(%run_scoped3A : memref<!tpu.dma_semaphore, #tpu.memory_space<semaphore_mem>>) src(%arg5 : memref<10240xf32, #tpu.memory_space<vmem>>) dst(%dma_wait3A_79 : memref<10240xf32, #tpu.memory_space<hbm>>)
      tpu.yield
    }) : () -> ()
    %scan3A_16 = arith.constant 0 : i32
    %scan3A_17 = arith.constant 0 : i32
    %scan3A_18 = arith.constant 80 : i32
    %scan3A_19 = arith.addi %scan3A_17, %scan3A_18 : i32
    %scan3A_20 = arith.constant 1 : i32
    scf.for %scan3A_70 = %scan3A_17 to %scan3A_19 step %scan3A_20  : i32 {
      %mul3A_71 = arith.constant 16 : i32
      %mul3A_72 = arith.muli %scan3A_70, %mul3A_71 : i32
      %get3A = arith.index_cast %mul3A_72 : i32 to index
      %get3A_73 = tpu.vector_load %arg4[%get3A] {strides = array<i32>} : memref<1280xi32, #tpu.memory_space<vmem>>, vector<16xi32>,
      %broadcast_in_dim3A = arith.constant 0.000000e+00 : f32
      %broadcast_in_dim3A_74 = vector.broadcast %broadcast_in_dim3A : f32 to vector<16xf32>
      tpu.vector_store_idx %arg5[%get3A_73], %broadcast_in_dim3A_74 : memref<10240xf32, #tpu.memory_space<vmem>>[vector<16xi32>], vector<16xf32>,
    }
    %scan3A_21 = arith.constant 80 : i32
    %mul3A_22 = arith.constant 4 : i32
    %mul3A_23 = arith.muli %add3A, %mul3A_22 : i32
    %add3A_24 = arith.constant 1 : i32
    %add3A_25 = arith.addi %mul3A_23, %add3A_24 : i32
    "tpu.region"() ({
      %run_scoped3A = tpu.sem_alloc : memref<!tpu.dma_semaphore, #tpu.memory_space<semaphore_mem>>
      %dma_start3A = arith.constant 0 : i32
      %dma_start3A_70 = tpu.memref_slice %arg2[%add3A_25, %dma_start3A] : memref<128x1280xi32, #tpu.memory_space<hbm>> -> memref<1x1280xi32, #tpu.memory_space<hbm>>
      %dma_start3A_71 = tpu.memref_squeeze %dma_start3A_70 : memref<1x1280xi32, #tpu.memory_space<hbm>> -> memref<1280xi32, #tpu.memory_space<hbm>>
      %dma_start3A_72 = arith.constant 0 : i32
      %dma_start3A_73 = tpu.memref_slice %arg2[%add3A_25, %dma_start3A_72] : memref<128x1280xi32, #tpu.memory_space<hbm>> -> memref<1x1280xi32, #tpu.memory_space<hbm>>
      %dma_start3A_74 = tpu.memref_squeeze %dma_start3A_73 : memref<1x1280xi32, #tpu.memory_space<hbm>> -> memref<1280xi32, #tpu.memory_space<hbm>>
      tpu.enqueue_dma source(%dma_start3A_74 : memref<1280xi32, #tpu.memory_space<hbm>>) target(%arg4 : memref<1280xi32, #tpu.memory_space<vmem>>) target_semaphore(%run_scoped3A : memref<!tpu.dma_semaphore, #tpu.memory_space<semaphore_mem>>)
      %dma_wait3A = arith.constant 0 : i32
      %dma_wait3A_75 = tpu.memref_slice %arg2[%add3A_25, %dma_wait3A] : memref<128x1280xi32, #tpu.memory_space<hbm>> -> memref<1x1280xi32, #tpu.memory_space<hbm>>
      %dma_wait3A_76 = tpu.memref_squeeze %dma_wait3A_75 : memref<1x1280xi32, #tpu.memory_space<hbm>> -> memref<1280xi32, #tpu.memory_space<hbm>>
      %dma_wait3A_77 = arith.constant 0 : i32
      %dma_wait3A_78 = tpu.memref_slice %arg2[%add3A_25, %dma_wait3A_77] : memref<128x1280xi32, #tpu.memory_space<hbm>> -> memref<1x1280xi32, #tpu.memory_space<hbm>>
      %dma_wait3A_79 = tpu.memref_squeeze %dma_wait3A_78 : memref<1x1280xi32, #tpu.memory_space<hbm>> -> memref<1280xi32, #tpu.memory_space<hbm>>
      tpu.wait_dma2 semaphore(%run_scoped3A : memref<!tpu.dma_semaphore, #tpu.memory_space<semaphore_mem>>) src(%dma_wait3A_79 : memref<1280xi32, #tpu.memory_space<hbm>>) dst(%arg4 : memref<1280xi32, #tpu.memory_space<vmem>>)
      tpu.yield
    }) : () -> ()
    %scan3A_26 = arith.constant 0 : i32
    %scan3A_27 = arith.constant 0 : i32
    %scan3A_28 = arith.constant 80 : i32
    %scan3A_29 = arith.addi %scan3A_27, %scan3A_28 : i32
    %scan3A_30 = arith.constant 1 : i32
    scf.for %scan3A_70 = %scan3A_27 to %scan3A_29 step %scan3A_30  : i32 {
      %mul3A_71 = arith.constant 16 : i32
      %mul3A_72 = arith.muli %scan3A_70, %mul3A_71 : i32
      %get3A = arith.index_cast %mul3A_72 : i32 to index
      %get3A_73 = tpu.vector_load %arg4[%get3A] {strides = array<i32>} : memref<1280xi32, #tpu.memory_space<vmem>>, vector<16xi32>,
      %broadcast_in_dim3A = arith.constant 1.000000e+00 : f32
      %broadcast_in_dim3A_74 = vector.broadcast %broadcast_in_dim3A : f32 to vector<16xf32>
      tpu.vector_store_idx %arg5[%get3A_73], %broadcast_in_dim3A_74 {add = true} : memref<10240xf32, #tpu.memory_space<vmem>>[vector<16xi32>], vector<16xf32>,
    }
    %scan3A_31 = arith.constant 80 : i32
    "tpu.region"() ({
      %run_scoped3A = tpu.sem_alloc : memref<!tpu.dma_semaphore, #tpu.memory_space<semaphore_mem>>
      %dma_start3A = arith.constant 0 : i32
      %dma_start3A_70 = tpu.memref_slice %arg3[%add3A_25, %dma_start3A] : memref<128x10240xf32, #tpu.memory_space<hbm>> -> memref<1x10240xf32, #tpu.memory_space<hbm>>
      %dma_start3A_71 = tpu.memref_squeeze %dma_start3A_70 : memref<1x10240xf32, #tpu.memory_space<hbm>> -> memref<10240xf32, #tpu.memory_space<hbm>>
      %dma_start3A_72 = arith.constant 0 : i32
      %dma_start3A_73 = tpu.memref_slice %arg3[%add3A_25, %dma_start3A_72] : memref<128x10240xf32, #tpu.memory_space<hbm>> -> memref<1x10240xf32, #tpu.memory_space<hbm>>
      %dma_start3A_74 = tpu.memref_squeeze %dma_start3A_73 : memref<1x10240xf32, #tpu.memory_space<hbm>> -> memref<10240xf32, #tpu.memory_space<hbm>>
      tpu.enqueue_dma source(%arg5 : memref<10240xf32, #tpu.memory_space<vmem>>) target(%dma_start3A_74 : memref<10240xf32, #tpu.memory_space<hbm>>) target_semaphore(%run_scoped3A : memref<!tpu.dma_semaphore, #tpu.memory_space<semaphore_mem>>)
      %dma_wait3A = arith.constant 0 : i32
      %dma_wait3A_75 = tpu.memref_slice %arg3[%add3A_25, %dma_wait3A] : memref<128x10240xf32, #tpu.memory_space<hbm>> -> memref<1x10240xf32, #tpu.memory_space<hbm>>
      %dma_wait3A_76 = tpu.memref_squeeze %dma_wait3A_75 : memref<1x10240xf32, #tpu.memory_space<hbm>> -> memref<10240xf32, #tpu.memory_space<hbm>>
      %dma_wait3A_77 = arith.constant 0 : i32
      %dma_wait3A_78 = tpu.memref_slice %arg3[%add3A_25, %dma_wait3A_77] : memref<128x10240xf32, #tpu.memory_space<hbm>> -> memref<1x10240xf32, #tpu.memory_space<hbm>>
      %dma_wait3A_79 = tpu.memref_squeeze %dma_wait3A_78 : memref<1x10240xf32, #tpu.memory_space<hbm>> -> memref<10240xf32, #tpu.memory_space<hbm>>
      tpu.wait_dma2 semaphore(%run_scoped3A : memref<!tpu.dma_semaphore, #tpu.memory_space<semaphore_mem>>) src(%arg5 : memref<10240xf32, #tpu.memory_space<vmem>>) dst(%dma_wait3A_79 : memref<10240xf32, #tpu.memory_space<hbm>>)
      tpu.yield
    }) : () -> ()
    %scan3A_32 = arith.constant 0 : i32
    %scan3A_33 = arith.constant 0 : i32
    %scan3A_34 = arith.constant 80 : i32
    %scan3A_35 = arith.addi %scan3A_33, %scan3A_34 : i32
    %scan3A_36 = arith.constant 1 : i32
    scf.for %scan3A_70 = %scan3A_33 to %scan3A_35 step %scan3A_36  : i32 {
      %mul3A_71 = arith.constant 16 : i32
      %mul3A_72 = arith.muli %scan3A_70, %mul3A_71 : i32
      %get3A = arith.index_cast %mul3A_72 : i32 to index
      %get3A_73 = tpu.vector_load %arg4[%get3A] {strides = array<i32>} : memref<1280xi32, #tpu.memory_space<vmem>>, vector<16xi32>,
      %broadcast_in_dim3A = arith.constant 0.000000e+00 : f32
      %broadcast_in_dim3A_74 = vector.broadcast %broadcast_in_dim3A : f32 to vector<16xf32>
      tpu.vector_store_idx %arg5[%get3A_73], %broadcast_in_dim3A_74 : memref<10240xf32, #tpu.memory_space<vmem>>[vector<16xi32>], vector<16xf32>,
    }
    %scan3A_37 = arith.constant 80 : i32
    %mul3A_38 = arith.constant 4 : i32
    %mul3A_39 = arith.muli %add3A, %mul3A_38 : i32
    %add3A_40 = arith.constant 2 : i32
    %add3A_41 = arith.addi %mul3A_39, %add3A_40 : i32
    "tpu.region"() ({
      %run_scoped3A = tpu.sem_alloc : memref<!tpu.dma_semaphore, #tpu.memory_space<semaphore_mem>>
      %dma_start3A = arith.constant 0 : i32
      %dma_start3A_70 = tpu.memref_slice %arg2[%add3A_41, %dma_start3A] : memref<128x1280xi32, #tpu.memory_space<hbm>> -> memref<1x1280xi32, #tpu.memory_space<hbm>>
      %dma_start3A_71 = tpu.memref_squeeze %dma_start3A_70 : memref<1x1280xi32, #tpu.memory_space<hbm>> -> memref<1280xi32, #tpu.memory_space<hbm>>
      %dma_start3A_72 = arith.constant 0 : i32
      %dma_start3A_73 = tpu.memref_slice %arg2[%add3A_41, %dma_start3A_72] : memref<128x1280xi32, #tpu.memory_space<hbm>> -> memref<1x1280xi32, #tpu.memory_space<hbm>>
      %dma_start3A_74 = tpu.memref_squeeze %dma_start3A_73 : memref<1x1280xi32, #tpu.memory_space<hbm>> -> memref<1280xi32, #tpu.memory_space<hbm>>
      tpu.enqueue_dma source(%dma_start3A_74 : memref<1280xi32, #tpu.memory_space<hbm>>) target(%arg4 : memref<1280xi32, #tpu.memory_space<vmem>>) target_semaphore(%run_scoped3A : memref<!tpu.dma_semaphore, #tpu.memory_space<semaphore_mem>>)
      %dma_wait3A = arith.constant 0 : i32
      %dma_wait3A_75 = tpu.memref_slice %arg2[%add3A_41, %dma_wait3A] : memref<128x1280xi32, #tpu.memory_space<hbm>> -> memref<1x1280xi32, #tpu.memory_space<hbm>>
      %dma_wait3A_76 = tpu.memref_squeeze %dma_wait3A_75 : memref<1x1280xi32, #tpu.memory_space<hbm>> -> memref<1280xi32, #tpu.memory_space<hbm>>
      %dma_wait3A_77 = arith.constant 0 : i32
      %dma_wait3A_78 = tpu.memref_slice %arg2[%add3A_41, %dma_wait3A_77] : memref<128x1280xi32, #tpu.memory_space<hbm>> -> memref<1x1280xi32, #tpu.memory_space<hbm>>
      %dma_wait3A_79 = tpu.memref_squeeze %dma_wait3A_78 : memref<1x1280xi32, #tpu.memory_space<hbm>> -> memref<1280xi32, #tpu.memory_space<hbm>>
      tpu.wait_dma2 semaphore(%run_scoped3A : memref<!tpu.dma_semaphore, #tpu.memory_space<semaphore_mem>>) src(%dma_wait3A_79 : memref<1280xi32, #tpu.memory_space<hbm>>) dst(%arg4 : memref<1280xi32, #tpu.memory_space<vmem>>)
      tpu.yield
    }) : () -> ()
    %scan3A_42 = arith.constant 0 : i32
    %scan3A_43 = arith.constant 0 : i32
    %scan3A_44 = arith.constant 80 : i32
    %scan3A_45 = arith.addi %scan3A_43, %scan3A_44 : i32
    %scan3A_46 = arith.constant 1 : i32
    scf.for %scan3A_70 = %scan3A_43 to %scan3A_45 step %scan3A_46  : i32 {
      %mul3A_71 = arith.constant 16 : i32
      %mul3A_72 = arith.muli %scan3A_70, %mul3A_71 : i32
      %get3A = arith.index_cast %mul3A_72 : i32 to index
      %get3A_73 = tpu.vector_load %arg4[%get3A] {strides = array<i32>} : memref<1280xi32, #tpu.memory_space<vmem>>, vector<16xi32>,
      %broadcast_in_dim3A = arith.constant 1.000000e+00 : f32
      %broadcast_in_dim3A_74 = vector.broadcast %broadcast_in_dim3A : f32 to vector<16xf32>
      tpu.vector_store_idx %arg5[%get3A_73], %broadcast_in_dim3A_74 {add = true} : memref<10240xf32, #tpu.memory_space<vmem>>[vector<16xi32>], vector<16xf32>,
    }
    %scan3A_47 = arith.constant 80 : i32
    "tpu.region"() ({
      %run_scoped3A = tpu.sem_alloc : memref<!tpu.dma_semaphore, #tpu.memory_space<semaphore_mem>>
      %dma_start3A = arith.constant 0 : i32
      %dma_start3A_70 = tpu.memref_slice %arg3[%add3A_41, %dma_start3A] : memref<128x10240xf32, #tpu.memory_space<hbm>> -> memref<1x10240xf32, #tpu.memory_space<hbm>>
      %dma_start3A_71 = tpu.memref_squeeze %dma_start3A_70 : memref<1x10240xf32, #tpu.memory_space<hbm>> -> memref<10240xf32, #tpu.memory_space<hbm>>
      %dma_start3A_72 = arith.constant 0 : i32
      %dma_start3A_73 = tpu.memref_slice %arg3[%add3A_41, %dma_start3A_72] : memref<128x10240xf32, #tpu.memory_space<hbm>> -> memref<1x10240xf32, #tpu.memory_space<hbm>>
      %dma_start3A_74 = tpu.memref_squeeze %dma_start3A_73 : memref<1x10240xf32, #tpu.memory_space<hbm>> -> memref<10240xf32, #tpu.memory_space<hbm>>
      tpu.enqueue_dma source(%arg5 : memref<10240xf32, #tpu.memory_space<vmem>>) target(%dma_start3A_74 : memref<10240xf32, #tpu.memory_space<hbm>>) target_semaphore(%run_scoped3A : memref<!tpu.dma_semaphore, #tpu.memory_space<semaphore_mem>>)
      %dma_wait3A = arith.constant 0 : i32
      %dma_wait3A_75 = tpu.memref_slice %arg3[%add3A_41, %dma_wait3A] : memref<128x10240xf32, #tpu.memory_space<hbm>> -> memref<1x10240xf32, #tpu.memory_space<hbm>>
      %dma_wait3A_76 = tpu.memref_squeeze %dma_wait3A_75 : memref<1x10240xf32, #tpu.memory_space<hbm>> -> memref<10240xf32, #tpu.memory_space<hbm>>
      %dma_wait3A_77 = arith.constant 0 : i32
      %dma_wait3A_78 = tpu.memref_slice %arg3[%add3A_41, %dma_wait3A_77] : memref<128x10240xf32, #tpu.memory_space<hbm>> -> memref<1x10240xf32, #tpu.memory_space<hbm>>
      %dma_wait3A_79 = tpu.memref_squeeze %dma_wait3A_78 : memref<1x10240xf32, #tpu.memory_space<hbm>> -> memref<10240xf32, #tpu.memory_space<hbm>>
      tpu.wait_dma2 semaphore(%run_scoped3A : memref<!tpu.dma_semaphore, #tpu.memory_space<semaphore_mem>>) src(%arg5 : memref<10240xf32, #tpu.memory_space<vmem>>) dst(%dma_wait3A_79 : memref<10240xf32, #tpu.memory_space<hbm>>)
      tpu.yield
    }) : () -> ()
    %scan3A_48 = arith.constant 0 : i32
    %scan3A_49 = arith.constant 0 : i32
    %scan3A_50 = arith.constant 80 : i32
    %scan3A_51 = arith.addi %scan3A_49, %scan3A_50 : i32
    %scan3A_52 = arith.constant 1 : i32
    scf.for %scan3A_70 = %scan3A_49 to %scan3A_51 step %scan3A_52  : i32 {
      %mul3A_71 = arith.constant 16 : i32
      %mul3A_72 = arith.muli %scan3A_70, %mul3A_71 : i32
      %get3A = arith.index_cast %mul3A_72 : i32 to index
      %get3A_73 = tpu.vector_load %arg4[%get3A] {strides = array<i32>} : memref<1280xi32, #tpu.memory_space<vmem>>, vector<16xi32>,
      %broadcast_in_dim3A = arith.constant 0.000000e+00 : f32
      %broadcast_in_dim3A_74 = vector.broadcast %broadcast_in_dim3A : f32 to vector<16xf32>
      tpu.vector_store_idx %arg5[%get3A_73], %broadcast_in_dim3A_74 : memref<10240xf32, #tpu.memory_space<vmem>>[vector<16xi32>], vector<16xf32>,
    }
    %scan3A_53 = arith.constant 80 : i32
    %mul3A_54 = arith.constant 4 : i32
    %mul3A_55 = arith.muli %add3A, %mul3A_54 : i32
    %add3A_56 = arith.constant 3 : i32
    %add3A_57 = arith.addi %mul3A_55, %add3A_56 : i32
    "tpu.region"() ({
      %run_scoped3A = tpu.sem_alloc : memref<!tpu.dma_semaphore, #tpu.memory_space<semaphore_mem>>
      %dma_start3A = arith.constant 0 : i32
      %dma_start3A_70 = tpu.memref_slice %arg2[%add3A_57, %dma_start3A] : memref<128x1280xi32, #tpu.memory_space<hbm>> -> memref<1x1280xi32, #tpu.memory_space<hbm>>
      %dma_start3A_71 = tpu.memref_squeeze %dma_start3A_70 : memref<1x1280xi32, #tpu.memory_space<hbm>> -> memref<1280xi32, #tpu.memory_space<hbm>>
      %dma_start3A_72 = arith.constant 0 : i32
      %dma_start3A_73 = tpu.memref_slice %arg2[%add3A_57, %dma_start3A_72] : memref<128x1280xi32, #tpu.memory_space<hbm>> -> memref<1x1280xi32, #tpu.memory_space<hbm>>
      %dma_start3A_74 = tpu.memref_squeeze %dma_start3A_73 : memref<1x1280xi32, #tpu.memory_space<hbm>> -> memref<1280xi32, #tpu.memory_space<hbm>>
      tpu.enqueue_dma source(%dma_start3A_74 : memref<1280xi32, #tpu.memory_space<hbm>>) target(%arg4 : memref<1280xi32, #tpu.memory_space<vmem>>) target_semaphore(%run_scoped3A : memref<!tpu.dma_semaphore, #tpu.memory_space<semaphore_mem>>)
      %dma_wait3A = arith.constant 0 : i32
      %dma_wait3A_75 = tpu.memref_slice %arg2[%add3A_57, %dma_wait3A] : memref<128x1280xi32, #tpu.memory_space<hbm>> -> memref<1x1280xi32, #tpu.memory_space<hbm>>
      %dma_wait3A_76 = tpu.memref_squeeze %dma_wait3A_75 : memref<1x1280xi32, #tpu.memory_space<hbm>> -> memref<1280xi32, #tpu.memory_space<hbm>>
      %dma_wait3A_77 = arith.constant 0 : i32
      %dma_wait3A_78 = tpu.memref_slice %arg2[%add3A_57, %dma_wait3A_77] : memref<128x1280xi32, #tpu.memory_space<hbm>> -> memref<1x1280xi32, #tpu.memory_space<hbm>>
      %dma_wait3A_79 = tpu.memref_squeeze %dma_wait3A_78 : memref<1x1280xi32, #tpu.memory_space<hbm>> -> memref<1280xi32, #tpu.memory_space<hbm>>
      tpu.wait_dma2 semaphore(%run_scoped3A : memref<!tpu.dma_semaphore, #tpu.memory_space<semaphore_mem>>) src(%dma_wait3A_79 : memref<1280xi32, #tpu.memory_space<hbm>>) dst(%arg4 : memref<1280xi32, #tpu.memory_space<vmem>>)
      tpu.yield
    }) : () -> ()
    %scan3A_58 = arith.constant 0 : i32
    %scan3A_59 = arith.constant 0 : i32
    %scan3A_60 = arith.constant 80 : i32
    %scan3A_61 = arith.addi %scan3A_59, %scan3A_60 : i32
    %scan3A_62 = arith.constant 1 : i32
    scf.for %scan3A_70 = %scan3A_59 to %scan3A_61 step %scan3A_62  : i32 {
      %mul3A_71 = arith.constant 16 : i32
      %mul3A_72 = arith.muli %scan3A_70, %mul3A_71 : i32
      %get3A = arith.index_cast %mul3A_72 : i32 to index
      %get3A_73 = tpu.vector_load %arg4[%get3A] {strides = array<i32>} : memref<1280xi32, #tpu.memory_space<vmem>>, vector<16xi32>,
      %broadcast_in_dim3A = arith.constant 1.000000e+00 : f32
      %broadcast_in_dim3A_74 = vector.broadcast %broadcast_in_dim3A : f32 to vector<16xf32>
      tpu.vector_store_idx %arg5[%get3A_73], %broadcast_in_dim3A_74 {add = true} : memref<10240xf32, #tpu.memory_space<vmem>>[vector<16xi32>], vector<16xf32>,
    }
    %scan3A_63 = arith.constant 80 : i32
    "tpu.region"() ({
      %run_scoped3A = tpu.sem_alloc : memref<!tpu.dma_semaphore, #tpu.memory_space<semaphore_mem>>
      %dma_start3A = arith.constant 0 : i32
      %dma_start3A_70 = tpu.memref_slice %arg3[%add3A_57, %dma_start3A] : memref<128x10240xf32, #tpu.memory_space<hbm>> -> memref<1x10240xf32, #tpu.memory_space<hbm>>
      %dma_start3A_71 = tpu.memref_squeeze %dma_start3A_70 : memref<1x10240xf32, #tpu.memory_space<hbm>> -> memref<10240xf32, #tpu.memory_space<hbm>>
      %dma_start3A_72 = arith.constant 0 : i32
      %dma_start3A_73 = tpu.memref_slice %arg3[%add3A_57, %dma_start3A_72] : memref<128x10240xf32, #tpu.memory_space<hbm>> -> memref<1x10240xf32, #tpu.memory_space<hbm>>
      %dma_start3A_74 = tpu.memref_squeeze %dma_start3A_73 : memref<1x10240xf32, #tpu.memory_space<hbm>> -> memref<10240xf32, #tpu.memory_space<hbm>>
      tpu.enqueue_dma source(%arg5 : memref<10240xf32, #tpu.memory_space<vmem>>) target(%dma_start3A_74 : memref<10240xf32, #tpu.memory_space<hbm>>) target_semaphore(%run_scoped3A : memref<!tpu.dma_semaphore, #tpu.memory_space<semaphore_mem>>)
      %dma_wait3A = arith.constant 0 : i32
      %dma_wait3A_75 = tpu.memref_slice %arg3[%add3A_57, %dma_wait3A] : memref<128x10240xf32, #tpu.memory_space<hbm>> -> memref<1x10240xf32, #tpu.memory_space<hbm>>
      %dma_wait3A_76 = tpu.memref_squeeze %dma_wait3A_75 : memref<1x10240xf32, #tpu.memory_space<hbm>> -> memref<10240xf32, #tpu.memory_space<hbm>>
      %dma_wait3A_77 = arith.constant 0 : i32
      %dma_wait3A_78 = tpu.memref_slice %arg3[%add3A_57, %dma_wait3A_77] : memref<128x10240xf32, #tpu.memory_space<hbm>> -> memref<1x10240xf32, #tpu.memory_space<hbm>>
      %dma_wait3A_79 = tpu.memref_squeeze %dma_wait3A_78 : memref<1x10240xf32, #tpu.memory_space<hbm>> -> memref<10240xf32, #tpu.memory_space<hbm>>
      tpu.wait_dma2 semaphore(%run_scoped3A : memref<!tpu.dma_semaphore, #tpu.memory_space<semaphore_mem>>) src(%arg5 : memref<10240xf32, #tpu.memory_space<vmem>>) dst(%dma_wait3A_79 : memref<10240xf32, #tpu.memory_space<hbm>>)
      tpu.yield
    }) : () -> ()
    %scan3A_64 = arith.constant 0 : i32
    %scan3A_65 = arith.constant 0 : i32
    %scan3A_66 = arith.constant 80 : i32
    %scan3A_67 = arith.addi %scan3A_65, %scan3A_66 : i32
    %scan3A_68 = arith.constant 1 : i32
    scf.for %scan3A_70 = %scan3A_65 to %scan3A_67 step %scan3A_68  : i32 {
      %mul3A_71 = arith.constant 16 : i32
      %mul3A_72 = arith.muli %scan3A_70, %mul3A_71 : i32
      %get3A = arith.index_cast %mul3A_72 : i32 to index
      %get3A_73 = tpu.vector_load %arg4[%get3A] {strides = array<i32>} : memref<1280xi32, #tpu.memory_space<vmem>>, vector<16xi32>,
      %broadcast_in_dim3A = arith.constant 0.000000e+00 : f32
      %broadcast_in_dim3A_74 = vector.broadcast %broadcast_in_dim3A : f32 to vector<16xf32>
      tpu.vector_store_idx %arg5[%get3A_73], %broadcast_in_dim3A_74 : memref<10240xf32, #tpu.memory_space<vmem>>[vector<16xi32>], vector<16xf32>,
    }
    %scan3A_69 = arith.constant 80 : i32
    return
  }
}

module attributes {stable_mosaic.version = 14 : i64} {
  func.func @_mega_body(%arg0: i32, %arg1: i32, %arg2: memref<2x2048x128xf32, #tpu.memory_space<vmem>>, %arg3: memref<128x128xf32, #tpu.memory_space<vmem>>, %arg4: memref<1x128xf32, #tpu.memory_space<vmem>>, %arg5: memref<128x1xf32, #tpu.memory_space<vmem>>, %arg6: memref<128x2048xf32, #tpu.memory_space<vmem>>, %arg7: memref<2x2048x128xf32, #tpu.memory_space<vmem>>, %arg8: memref<1x1xf32, #tpu.memory_space<vmem>>, %arg9: memref<1x1xf32, #tpu.memory_space<vmem>>, %arg10: memref<1x1xf32, #tpu.memory_space<vmem>>, %arg11: memref<2x5x2048x128xf32, #tpu.memory_space<vmem>>, %arg12: memref<2x5x1x2048xf32, #tpu.memory_space<vmem>>, %arg13: memref<2x128x128xf32, #tpu.memory_space<vmem>>, %arg14: memref<2x128x128xf32, #tpu.memory_space<vmem>>, %arg15: memref<2x5x128x2048xbf16, #tpu.memory_space<vmem>>, %arg16: memref<2x128x128xf32, #tpu.memory_space<vmem>>) attributes {dimension_semantics = [#tpu.dimension_semantics<arbitrary>, #tpu.dimension_semantics<arbitrary>], iteration_bounds = array<i64: 3, 5>, scalar_prefetch = 0 : i64, scratch_operands = 6 : i64, tpu.core_type = #tpu.core_type<tc>, window_params = [{transform_indices = @transform_0, window_bounds = array<i64: 2, 2048, 128>}, {pipeline_mode = #tpu.pipeline_mode<synchronous>, transform_indices = @transform_1, window_bounds = array<i64: 128, 128>}, {pipeline_mode = #tpu.pipeline_mode<synchronous>, transform_indices = @transform_2, window_bounds = array<i64: 1, 128>}, {pipeline_mode = #tpu.pipeline_mode<synchronous>, transform_indices = @transform_3, window_bounds = array<i64: 128, 1>}, {transform_indices = @transform_4, window_bounds = array<i64: 128, 2048>}, {transform_indices = @transform_5, window_bounds = array<i64: 2, 2048, 128>}, {pipeline_mode = #tpu.pipeline_mode<synchronous>, transform_indices = @transform_6, window_bounds = array<i64: 1, 1>}, {pipeline_mode = #tpu.pipeline_mode<synchronous>, transform_indices = @transform_7, window_bounds = array<i64: 1, 1>}, {pipeline_mode = #tpu.pipeline_mode<synchronous>, transform_indices = @transform_8, window_bounds = array<i64: 1, 1>}]} {
    %eq3A = arith.constant 0 : i32
    %eq3A_0 = arith.cmpi eq, %arg0, %eq3A : i32
    %eq3A_1 = arith.constant 0 : i32
    %eq3A_2 = arith.cmpi eq, %arg1, %eq3A_1 : i32
    %and3A = arith.andi %eq3A_0, %eq3A_2 : i1
    %convert_element_type3A = arith.extui %and3A : i1 to i32
    %cond3A = arith.constant 0 : i32
    %cond3A_3 = arith.cmpi ne, %convert_element_type3A, %cond3A : i32
    scf.if %cond3A_3 {
      %broadcast_in_dim3A = arith.constant 0.000000e+00 : f32
      %broadcast_in_dim3A_27 = vector.broadcast %broadcast_in_dim3A : f32 to vector<2x128x128xf32>
      %swap3A = arith.constant 0 : index
      %swap3A_28 = arith.constant 0 : index
      %swap3A_29 = arith.constant 0 : index
      %swap3A_30 = vector.load %arg13[%swap3A, %swap3A_28, %swap3A_29] : memref<2x128x128xf32, #tpu.memory_space<vmem>>, vector<2x128x128xf32>
      tpu.vector_store %arg13[%swap3A, %swap3A_28, %swap3A_29], %broadcast_in_dim3A_27 {strides = array<i32>} : memref<2x128x128xf32, #tpu.memory_space<vmem>>, vector<2x128x128xf32>,
      %broadcast_in_dim3A_31 = arith.constant 0.000000e+00 : f32
      %broadcast_in_dim3A_32 = vector.broadcast %broadcast_in_dim3A_31 : f32 to vector<1x1xf32>
      %swap3A_33 = arith.constant 0 : index
      %swap3A_34 = arith.constant 0 : index
      %swap3A_35 = vector.load %arg8[%swap3A_33, %swap3A_34] : memref<1x1xf32, #tpu.memory_space<vmem>>, vector<1x1xf32>
      tpu.vector_store %arg8[%swap3A_33, %swap3A_34], %broadcast_in_dim3A_32 {strides = array<i32>} : memref<1x1xf32, #tpu.memory_space<vmem>>, vector<1x1xf32>,
    } else {
    }
    %eq3A_4 = arith.constant 0 : i32
    %eq3A_5 = arith.cmpi eq, %arg0, %eq3A_4 : i32
    %convert_element_type3A_6 = arith.extui %eq3A_5 : i1 to i32
    %cond3A_7 = arith.constant 0 : i32
    %cond3A_8 = arith.cmpi ne, %convert_element_type3A_6, %cond3A_7 : i32
    scf.if %cond3A_8 {
      %get3A = arith.constant 0 : index
      %get3A_27 = arith.constant 0 : index
      %get3A_28 = vector.load %arg6[%get3A, %get3A_27] : memref<128x2048xf32, #tpu.memory_space<vmem>>, vector<128x2048xf32>
      %convert_element_type3A_29 = arith.truncf %get3A_28 : vector<128x2048xf32> to vector<128x2048xbf16>
      %broadcast_in_dim3A = arith.constant 1.000000e+00 : f32
      %broadcast_in_dim3A_30 = vector.broadcast %broadcast_in_dim3A : f32 to vector<1x128xf32>
      %broadcast_in_dim3A_31 = arith.constant 0.000000e+00 : f32
      %broadcast_in_dim3A_32 = vector.broadcast %broadcast_in_dim3A_31 : f32 to vector<1x2048xf32>
      %get3A_33 = arith.constant 0 : index
      %get3A_34 = arith.constant 0 : index
      %get3A_35 = arith.constant 0 : index
      %get3A_36 = vector.load %arg2[%get3A_33, %get3A_34, %get3A_35] : memref<2x2048x128xf32, #tpu.memory_space<vmem>>, vector<1x2048x128xf32>
      %get3A_37 = vector.shape_cast %get3A_36 : vector<1x2048x128xf32> to vector<2048x128xf32>
      %get3A_38 = arith.constant 0 : index
      %get3A_39 = arith.constant 0 : index
      %get3A_40 = vector.load %arg3[%get3A_38, %get3A_39] : memref<128x128xf32, #tpu.memory_space<vmem>>, vector<128x128xf32>
      %dot_general3A = arith.constant dense<0.000000e+00> : vector<2048x128xf32>
      %dot_general3A_41 = tpu.matmul %get3A_37, %get3A_40, %dot_general3A {dimension_numbers = #tpu.dot_dimension_numbers<[1], [0], [0], [1], [0, 0, 1, 1], [], []>, transpose_lhs_hint = false} : vector<2048x128xf32>, vector<128x128xf32>, vector<2048x128xf32> -> vector<2048x128xf32>
      %swap3A = arith.constant 0 : index
      %swap3A_42 = arith.index_cast %arg1 : i32 to index
      %swap3A_43 = arith.constant 0 : index
      %swap3A_44 = arith.constant 0 : index
      %swap3A_45 = vector.load %arg11[%swap3A, %swap3A_42, %swap3A_43, %swap3A_44] : memref<2x5x2048x128xf32, #tpu.memory_space<vmem>>, vector<1x1x2048x128xf32>
      %swap3A_46 = vector.shape_cast %swap3A_45 : vector<1x1x2048x128xf32> to vector<2048x128xf32>
      %swap3A_47 = vector.shape_cast %dot_general3A_41 : vector<2048x128xf32> to vector<1x1x2048x128xf32>
      tpu.vector_store %arg11[%swap3A, %swap3A_42, %swap3A_43, %swap3A_44], %swap3A_47 {strides = array<i32>} : memref<2x5x2048x128xf32, #tpu.memory_space<vmem>>, vector<1x1x2048x128xf32>,
      %get3A_48 = arith.constant 0 : index
      %get3A_49 = arith.constant 0 : index
      %get3A_50 = vector.load %arg4[%get3A_48, %get3A_49] : memref<1x128xf32, #tpu.memory_space<vmem>>, vector<1x128xf32>
      %dot_general3A_51 = arith.constant dense<0.000000e+00> : vector<1x2048xf32>
      %dot_general3A_52 = tpu.matmul %get3A_50, %dot_general3A_41, %dot_general3A_51 {dimension_numbers = #tpu.dot_dimension_numbers<[1], [1], [0], [0], [0, 0, 1, 0], [], []>, precision = #tpu.contract_precision<fp32>, transpose_lhs_hint = false} : vector<1x128xf32>, vector<2048x128xf32>, vector<1x2048xf32> -> vector<1x2048xf32>
      %swap3A_53 = arith.constant 0 : index
      %swap3A_54 = arith.index_cast %arg1 : i32 to index
      %swap3A_55 = arith.constant 0 : index
      %swap3A_56 = arith.constant 0 : index
      %swap3A_57 = vector.load %arg12[%swap3A_53, %swap3A_54, %swap3A_55, %swap3A_56] : memref<2x5x1x2048xf32, #tpu.memory_space<vmem>>, vector<1x1x1x2048xf32>
      %swap3A_58 = vector.shape_cast %swap3A_57 : vector<1x1x1x2048xf32> to vector<1x2048xf32>
      %swap3A_59 = vector.shape_cast %dot_general3A_52 : vector<1x2048xf32> to vector<1x1x1x2048xf32>
      tpu.vector_store %arg12[%swap3A_53, %swap3A_54, %swap3A_55, %swap3A_56], %swap3A_59 {strides = array<i32>} : memref<2x5x1x2048xf32, #tpu.memory_space<vmem>>, vector<1x1x1x2048xf32>,
      %dot_general3A_60 = arith.constant dense<0.000000e+00> : vector<1x2048xf32>
      %dot_general3A_61 = tpu.matmul %broadcast_in_dim3A_30, %dot_general3A_41, %dot_general3A_60 {dimension_numbers = #tpu.dot_dimension_numbers<[1], [1], [0], [0], [0, 0, 1, 0], [], []>, precision = #tpu.contract_precision<fp32>, transpose_lhs_hint = false} : vector<1x128xf32>, vector<2048x128xf32>, vector<1x2048xf32> -> vector<1x2048xf32>
      %add3A = arith.addf %broadcast_in_dim3A_32, %dot_general3A_61 : vector<1x2048xf32>
      %convert_element_type3A_62 = arith.truncf %dot_general3A_41 : vector<2048x128xf32> to vector<2048x128xbf16>
      %convert_element_type3A_63 = arith.extf %convert_element_type3A_62 : vector<2048x128xbf16> to vector<2048x128xf32>
      %sub3A = arith.subf %dot_general3A_41, %convert_element_type3A_63 : vector<2048x128xf32>
      %convert_element_type3A_64 = arith.truncf %sub3A : vector<2048x128xf32> to vector<2048x128xbf16>
      %get3A_65 = arith.constant 0 : index
      %get3A_66 = arith.constant 0 : index
      %get3A_67 = arith.constant 0 : index
      %get3A_68 = vector.load %arg13[%get3A_65, %get3A_66, %get3A_67] : memref<2x128x128xf32, #tpu.memory_space<vmem>>, vector<1x128x128xf32>
      %get3A_69 = vector.shape_cast %get3A_68 : vector<1x128x128xf32> to vector<128x128xf32>
      %dot_general3A_70 = arith.constant dense<0.000000e+00> : vector<128x128xf32>
      %dot_general3A_71 = tpu.matmul %convert_element_type3A_29, %convert_element_type3A_62, %dot_general3A_70 {dimension_numbers = #tpu.dot_dimension_numbers<[1], [0], [0], [1], [0, 0, 1, 1], [], []>, transpose_lhs_hint = false} : vector<128x2048xbf16>, vector<2048x128xbf16>, vector<128x128xf32> -> vector<128x128xf32>
      %add3A_72 = arith.addf %get3A_69, %dot_general3A_71 : vector<128x128xf32>
      %dot_general3A_73 = arith.constant dense<0.000000e+00> : vector<128x128xf32>
      %dot_general3A_74 = tpu.matmul %convert_element_type3A_29, %convert_element_type3A_64, %dot_general3A_73 {dimension_numbers = #tpu.dot_dimension_numbers<[1], [0], [0], [1], [0, 0, 1, 1], [], []>, transpose_lhs_hint = false} : vector<128x2048xbf16>, vector<2048x128xbf16>, vector<128x128xf32> -> vector<128x128xf32>
      %add3A_75 = arith.addf %add3A_72, %dot_general3A_74 : vector<128x128xf32>
      %swap3A_76 = arith.constant 0 : index
      %swap3A_77 = arith.constant 0 : index
      %swap3A_78 = arith.constant 0 : index
      %swap3A_79 = vector.load %arg13[%swap3A_76, %swap3A_77, %swap3A_78] : memref<2x128x128xf32, #tpu.memory_space<vmem>>, vector<1x128x128xf32>
      %swap3A_80 = vector.shape_cast %swap3A_79 : vector<1x128x128xf32> to vector<128x128xf32>
      %swap3A_81 = vector.shape_cast %add3A_75 : vector<128x128xf32> to vector<1x128x128xf32>
      tpu.vector_store %arg13[%swap3A_76, %swap3A_77, %swap3A_78], %swap3A_81 {strides = array<i32>} : memref<2x128x128xf32, #tpu.memory_space<vmem>>, vector<1x128x128xf32>,
      %get3A_82 = arith.constant 1 : index
      %get3A_83 = arith.constant 0 : index
      %get3A_84 = arith.constant 0 : index
      %get3A_85 = vector.load %arg2[%get3A_82, %get3A_83, %get3A_84] : memref<2x2048x128xf32, #tpu.memory_space<vmem>>, vector<1x2048x128xf32>
      %get3A_86 = vector.shape_cast %get3A_85 : vector<1x2048x128xf32> to vector<2048x128xf32>
      %get3A_87 = arith.constant 0 : index
      %get3A_88 = arith.constant 0 : index
      %get3A_89 = vector.load %arg3[%get3A_87, %get3A_88] : memref<128x128xf32, #tpu.memory_space<vmem>>, vector<128x128xf32>
      %dot_general3A_90 = arith.constant dense<0.000000e+00> : vector<2048x128xf32>
      %dot_general3A_91 = tpu.matmul %get3A_86, %get3A_89, %dot_general3A_90 {dimension_numbers = #tpu.dot_dimension_numbers<[1], [0], [0], [1], [0, 0, 1, 1], [], []>, transpose_lhs_hint = false} : vector<2048x128xf32>, vector<128x128xf32>, vector<2048x128xf32> -> vector<2048x128xf32>
      %swap3A_92 = arith.constant 1 : index
      %swap3A_93 = arith.index_cast %arg1 : i32 to index
      %swap3A_94 = arith.constant 0 : index
      %swap3A_95 = arith.constant 0 : index
      %swap3A_96 = vector.load %arg11[%swap3A_92, %swap3A_93, %swap3A_94, %swap3A_95] : memref<2x5x2048x128xf32, #tpu.memory_space<vmem>>, vector<1x1x2048x128xf32>
      %swap3A_97 = vector.shape_cast %swap3A_96 : vector<1x1x2048x128xf32> to vector<2048x128xf32>
      %swap3A_98 = vector.shape_cast %dot_general3A_91 : vector<2048x128xf32> to vector<1x1x2048x128xf32>
      tpu.vector_store %arg11[%swap3A_92, %swap3A_93, %swap3A_94, %swap3A_95], %swap3A_98 {strides = array<i32>} : memref<2x5x2048x128xf32, #tpu.memory_space<vmem>>, vector<1x1x2048x128xf32>,
      %get3A_99 = arith.constant 0 : index
      %get3A_100 = arith.constant 0 : index
      %get3A_101 = vector.load %arg4[%get3A_99, %get3A_100] : memref<1x128xf32, #tpu.memory_space<vmem>>, vector<1x128xf32>
      %dot_general3A_102 = arith.constant dense<0.000000e+00> : vector<1x2048xf32>
      %dot_general3A_103 = tpu.matmul %get3A_101, %dot_general3A_91, %dot_general3A_102 {dimension_numbers = #tpu.dot_dimension_numbers<[1], [1], [0], [0], [0, 0, 1, 0], [], []>, precision = #tpu.contract_precision<fp32>, transpose_lhs_hint = false} : vector<1x128xf32>, vector<2048x128xf32>, vector<1x2048xf32> -> vector<1x2048xf32>
      %swap3A_104 = arith.constant 1 : index
      %swap3A_105 = arith.index_cast %arg1 : i32 to index
      %swap3A_106 = arith.constant 0 : index
      %swap3A_107 = arith.constant 0 : index
      %swap3A_108 = vector.load %arg12[%swap3A_104, %swap3A_105, %swap3A_106, %swap3A_107] : memref<2x5x1x2048xf32, #tpu.memory_space<vmem>>, vector<1x1x1x2048xf32>
      %swap3A_109 = vector.shape_cast %swap3A_108 : vector<1x1x1x2048xf32> to vector<1x2048xf32>
      %swap3A_110 = vector.shape_cast %dot_general3A_103 : vector<1x2048xf32> to vector<1x1x1x2048xf32>
      tpu.vector_store %arg12[%swap3A_104, %swap3A_105, %swap3A_106, %swap3A_107], %swap3A_110 {strides = array<i32>} : memref<2x5x1x2048xf32, #tpu.memory_space<vmem>>, vector<1x1x1x2048xf32>,
      %dot_general3A_111 = arith.constant dense<0.000000e+00> : vector<1x2048xf32>
      %dot_general3A_112 = tpu.matmul %broadcast_in_dim3A_30, %dot_general3A_91, %dot_general3A_111 {dimension_numbers = #tpu.dot_dimension_numbers<[1], [1], [0], [0], [0, 0, 1, 0], [], []>, precision = #tpu.contract_precision<fp32>, transpose_lhs_hint = false} : vector<1x128xf32>, vector<2048x128xf32>, vector<1x2048xf32> -> vector<1x2048xf32>
      %add3A_113 = arith.addf %add3A, %dot_general3A_112 : vector<1x2048xf32>
      %convert_element_type3A_114 = arith.truncf %dot_general3A_91 : vector<2048x128xf32> to vector<2048x128xbf16>
      %convert_element_type3A_115 = arith.extf %convert_element_type3A_114 : vector<2048x128xbf16> to vector<2048x128xf32>
      %sub3A_116 = arith.subf %dot_general3A_91, %convert_element_type3A_115 : vector<2048x128xf32>
      %convert_element_type3A_117 = arith.truncf %sub3A_116 : vector<2048x128xf32> to vector<2048x128xbf16>
      %get3A_118 = arith.constant 1 : index
      %get3A_119 = arith.constant 0 : index
      %get3A_120 = arith.constant 0 : index
      %get3A_121 = vector.load %arg13[%get3A_118, %get3A_119, %get3A_120] : memref<2x128x128xf32, #tpu.memory_space<vmem>>, vector<1x128x128xf32>
      %get3A_122 = vector.shape_cast %get3A_121 : vector<1x128x128xf32> to vector<128x128xf32>
      %dot_general3A_123 = arith.constant dense<0.000000e+00> : vector<128x128xf32>
      %dot_general3A_124 = tpu.matmul %convert_element_type3A_29, %convert_element_type3A_114, %dot_general3A_123 {dimension_numbers = #tpu.dot_dimension_numbers<[1], [0], [0], [1], [0, 0, 1, 1], [], []>, transpose_lhs_hint = false} : vector<128x2048xbf16>, vector<2048x128xbf16>, vector<128x128xf32> -> vector<128x128xf32>
      %add3A_125 = arith.addf %get3A_122, %dot_general3A_124 : vector<128x128xf32>
      %dot_general3A_126 = arith.constant dense<0.000000e+00> : vector<128x128xf32>
      %dot_general3A_127 = tpu.matmul %convert_element_type3A_29, %convert_element_type3A_117, %dot_general3A_126 {dimension_numbers = #tpu.dot_dimension_numbers<[1], [0], [0], [1], [0, 0, 1, 1], [], []>, transpose_lhs_hint = false} : vector<128x2048xbf16>, vector<2048x128xbf16>, vector<128x128xf32> -> vector<128x128xf32>
      %add3A_128 = arith.addf %add3A_125, %dot_general3A_127 : vector<128x128xf32>
      %swap3A_129 = arith.constant 1 : index
      %swap3A_130 = arith.constant 0 : index
      %swap3A_131 = arith.constant 0 : index
      %swap3A_132 = vector.load %arg13[%swap3A_129, %swap3A_130, %swap3A_131] : memref<2x128x128xf32, #tpu.memory_space<vmem>>, vector<1x128x128xf32>
      %swap3A_133 = vector.shape_cast %swap3A_132 : vector<1x128x128xf32> to vector<128x128xf32>
      %swap3A_134 = vector.shape_cast %add3A_128 : vector<128x128xf32> to vector<1x128x128xf32>
      tpu.vector_store %arg13[%swap3A_129, %swap3A_130, %swap3A_131], %swap3A_134 {strides = array<i32>} : memref<2x128x128xf32, #tpu.memory_space<vmem>>, vector<1x128x128xf32>,
      %reduce_sum3A = arith.constant dense<0.000000e+00> : vector<2048xf32>
      %reduce_sum3A_135 = vector.multi_reduction <add>, %get3A_28, %reduce_sum3A [0] : vector<128x2048xf32> to vector<2048xf32>
      %broadcast_in_dim3A_136 = vector.shape_cast %reduce_sum3A_135 : vector<2048xf32> to vector<1x2048xf32>
      %get3A_137 = arith.constant 0 : index
      %get3A_138 = arith.constant 0 : index
      %get3A_139 = vector.load %arg8[%get3A_137, %get3A_138] : memref<1x1xf32, #tpu.memory_space<vmem>>, vector<1x1xf32>
      %dot_general3A_140 = arith.constant dense<0.000000e+00> : vector<1x1xf32>
      %dot_general3A_141 = tpu.matmul %broadcast_in_dim3A_136, %add3A_113, %dot_general3A_140 {dimension_numbers = #tpu.dot_dimension_numbers<[1], [1], [0], [0], [0, 0, 1, 0], [], []>, precision = #tpu.contract_precision<fp32>, transpose_lhs_hint = false} : vector<1x2048xf32>, vector<1x2048xf32>, vector<1x1xf32> -> vector<1x1xf32>
      %add3A_142 = arith.addf %get3A_139, %dot_general3A_141 : vector<1x1xf32>
      %swap3A_143 = arith.constant 0 : index
      %swap3A_144 = arith.constant 0 : index
      %swap3A_145 = vector.load %arg8[%swap3A_143, %swap3A_144] : memref<1x1xf32, #tpu.memory_space<vmem>>, vector<1x1xf32>
      tpu.vector_store %arg8[%swap3A_143, %swap3A_144], %add3A_142 {strides = array<i32>} : memref<1x1xf32, #tpu.memory_space<vmem>>, vector<1x1xf32>,
    } else {
    }
    %eq3A_9 = arith.constant 1 : i32
    %eq3A_10 = arith.cmpi eq, %arg0, %eq3A_9 : i32
    %eq3A_11 = arith.constant 0 : i32
    %eq3A_12 = arith.cmpi eq, %arg1, %eq3A_11 : i32
    %and3A_13 = arith.andi %eq3A_10, %eq3A_12 : i1
    %convert_element_type3A_14 = arith.extui %and3A_13 : i1 to i32
    %cond3A_15 = arith.constant 0 : i32
    %cond3A_16 = arith.cmpi ne, %convert_element_type3A_14, %cond3A_15 : i32
    scf.if %cond3A_16 {
      %broadcast_in_dim3A = arith.constant 0.000000e+00 : f32
      %broadcast_in_dim3A_27 = vector.broadcast %broadcast_in_dim3A : f32 to vector<2x128x128xf32>
      %swap3A = arith.constant 0 : index
      %swap3A_28 = arith.constant 0 : index
      %swap3A_29 = arith.constant 0 : index
      %swap3A_30 = vector.load %arg16[%swap3A, %swap3A_28, %swap3A_29] : memref<2x128x128xf32, #tpu.memory_space<vmem>>, vector<2x128x128xf32>
      tpu.vector_store %arg16[%swap3A, %swap3A_28, %swap3A_29], %broadcast_in_dim3A_27 {strides = array<i32>} : memref<2x128x128xf32, #tpu.memory_space<vmem>>, vector<2x128x128xf32>,
      %get3A = arith.constant 0 : index
      %get3A_31 = arith.constant 0 : index
      %get3A_32 = arith.constant 0 : index
      %get3A_33 = vector.load %arg13[%get3A, %get3A_31, %get3A_32] : memref<2x128x128xf32, #tpu.memory_space<vmem>>, vector<1x128x128xf32>
      %get3A_34 = vector.shape_cast %get3A_33 : vector<1x128x128xf32> to vector<128x128xf32>
      %get3A_35 = arith.constant 0 : index
      %get3A_36 = arith.constant 0 : index
      %get3A_37 = vector.load %arg5[%get3A_35, %get3A_36] : memref<128x1xf32, #tpu.memory_space<vmem>>, vector<128x1xf32>
      %dot_general3A = arith.constant dense<0.000000e+00> : vector<128x1xf32>
      %dot_general3A_38 = tpu.matmul %get3A_34, %get3A_37, %dot_general3A {dimension_numbers = #tpu.dot_dimension_numbers<[1], [0], [0], [1], [0, 0, 1, 1], [], []>, precision = #tpu.contract_precision<fp32>, transpose_lhs_hint = false} : vector<128x128xf32>, vector<128x1xf32>, vector<128x1xf32> -> vector<128x1xf32>
      %broadcast_in_dim3A_39 = vector.shape_cast %dot_general3A_38 : vector<128x1xf32> to vector<128x1xf32>
      %broadcast_in_dim3A_40 = vector.broadcast %broadcast_in_dim3A_39 : vector<128x1xf32> to vector<128x128xf32>
      %swap3A_41 = arith.constant 0 : index
      %swap3A_42 = arith.constant 0 : index
      %swap3A_43 = arith.constant 0 : index
      %swap3A_44 = vector.load %arg14[%swap3A_41, %swap3A_42, %swap3A_43] : memref<2x128x128xf32, #tpu.memory_space<vmem>>, vector<1x128x128xf32>
      %swap3A_45 = vector.shape_cast %swap3A_44 : vector<1x128x128xf32> to vector<128x128xf32>
      %swap3A_46 = vector.shape_cast %broadcast_in_dim3A_40 : vector<128x128xf32> to vector<1x128x128xf32>
      tpu.vector_store %arg14[%swap3A_41, %swap3A_42, %swap3A_43], %swap3A_46 {strides = array<i32>} : memref<2x128x128xf32, #tpu.memory_space<vmem>>, vector<1x128x128xf32>,
      %get3A_47 = arith.constant 1 : index
      %get3A_48 = arith.constant 0 : index
      %get3A_49 = arith.constant 0 : index
      %get3A_50 = vector.load %arg13[%get3A_47, %get3A_48, %get3A_49] : memref<2x128x128xf32, #tpu.memory_space<vmem>>, vector<1x128x128xf32>
      %get3A_51 = vector.shape_cast %get3A_50 : vector<1x128x128xf32> to vector<128x128xf32>
      %get3A_52 = arith.constant 0 : index
      %get3A_53 = arith.constant 0 : index
      %get3A_54 = vector.load %arg5[%get3A_52, %get3A_53] : memref<128x1xf32, #tpu.memory_space<vmem>>, vector<128x1xf32>
      %dot_general3A_55 = arith.constant dense<0.000000e+00> : vector<128x1xf32>
      %dot_general3A_56 = tpu.matmul %get3A_51, %get3A_54, %dot_general3A_55 {dimension_numbers = #tpu.dot_dimension_numbers<[1], [0], [0], [1], [0, 0, 1, 1], [], []>, precision = #tpu.contract_precision<fp32>, transpose_lhs_hint = false} : vector<128x128xf32>, vector<128x1xf32>, vector<128x1xf32> -> vector<128x1xf32>
      %broadcast_in_dim3A_57 = vector.shape_cast %dot_general3A_56 : vector<128x1xf32> to vector<128x1xf32>
      %broadcast_in_dim3A_58 = vector.broadcast %broadcast_in_dim3A_57 : vector<128x1xf32> to vector<128x128xf32>
      %swap3A_59 = arith.constant 1 : index
      %swap3A_60 = arith.constant 0 : index
      %swap3A_61 = arith.constant 0 : index
      %swap3A_62 = vector.load %arg14[%swap3A_59, %swap3A_60, %swap3A_61] : memref<2x128x128xf32, #tpu.memory_space<vmem>>, vector<1x128x128xf32>
      %swap3A_63 = vector.shape_cast %swap3A_62 : vector<1x128x128xf32> to vector<128x128xf32>
      %swap3A_64 = vector.shape_cast %broadcast_in_dim3A_58 : vector<128x128xf32> to vector<1x128x128xf32>
      tpu.vector_store %arg14[%swap3A_59, %swap3A_60, %swap3A_61], %swap3A_64 {strides = array<i32>} : memref<2x128x128xf32, #tpu.memory_space<vmem>>, vector<1x128x128xf32>,
      %broadcast_in_dim3A_65 = arith.constant 1.000000e+00 : f32
      %broadcast_in_dim3A_66 = vector.broadcast %broadcast_in_dim3A_65 : f32 to vector<1x128xf32>
      %broadcast_in_dim3A_67 = arith.constant 0.000000e+00 : f32
      %broadcast_in_dim3A_68 = vector.broadcast %broadcast_in_dim3A_67 : f32 to vector<128x128xf32>
      %get3A_69 = arith.constant 0 : index
      %get3A_70 = arith.constant 0 : index
      %get3A_71 = arith.constant 0 : index
      %get3A_72 = vector.load %arg13[%get3A_69, %get3A_70, %get3A_71] : memref<2x128x128xf32, #tpu.memory_space<vmem>>, vector<1x128x128xf32>
      %get3A_73 = vector.shape_cast %get3A_72 : vector<1x128x128xf32> to vector<128x128xf32>
      %dot_general3A_74 = arith.constant dense<0.000000e+00> : vector<128x128xf32>
      %dot_general3A_75 = tpu.matmul %get3A_73, %get3A_73, %dot_general3A_74 {dimension_numbers = #tpu.dot_dimension_numbers<[1], [1], [0], [0], [0, 0, 1, 0], [], []>, precision = #tpu.contract_precision<fp32>, transpose_lhs_hint = false} : vector<128x128xf32>, vector<128x128xf32>, vector<128x128xf32> -> vector<128x128xf32>
      %mul3A = arith.mulf %get3A_73, %get3A_73 : vector<128x128xf32>
      %dot_general3A_76 = arith.constant dense<0.000000e+00> : vector<1x128xf32>
      %dot_general3A_77 = tpu.matmul %broadcast_in_dim3A_66, %mul3A, %dot_general3A_76 {dimension_numbers = #tpu.dot_dimension_numbers<[1], [1], [0], [0], [0, 0, 1, 0], [], []>, precision = #tpu.contract_precision<fp32>, transpose_lhs_hint = false} : vector<1x128xf32>, vector<128x128xf32>, vector<1x128xf32> -> vector<1x128xf32>
      %dot_general3A_78 = arith.constant dense<0.000000e+00> : vector<128x1xf32>
      %dot_general3A_79 = tpu.matmul %mul3A, %broadcast_in_dim3A_66, %dot_general3A_78 {dimension_numbers = #tpu.dot_dimension_numbers<[1], [1], [0], [0], [0, 0, 1, 0], [], []>, precision = #tpu.contract_precision<fp32>, transpose_lhs_hint = false} : vector<128x128xf32>, vector<1x128xf32>, vector<128x1xf32> -> vector<128x1xf32>
      %sqrt3A = math.sqrt %dot_general3A_79 : vector<128x1xf32>
      %sqrt3A_80 = math.sqrt %dot_general3A_77 : vector<1x128xf32>
      %mul3A_81 = vector.broadcast %sqrt3A : vector<128x1xf32> to vector<128x128xf32>
      %mul3A_82 = vector.broadcast %sqrt3A_80 : vector<1x128xf32> to vector<128x128xf32>
      %mul3A_83 = arith.mulf %mul3A_81, %mul3A_82 : vector<128x128xf32>
      %div3A = arith.divf %dot_general3A_75, %mul3A_83 : vector<128x128xf32>
      %add3A = vector.broadcast %dot_general3A_79 : vector<128x1xf32> to vector<128x128xf32>
      %add3A_84 = vector.broadcast %dot_general3A_77 : vector<1x128xf32> to vector<128x128xf32>
      %add3A_85 = arith.addf %add3A, %add3A_84 : vector<128x128xf32>
      %mul3A_86 = arith.constant 2.000000e+00 : f32
      %mul3A_87 = vector.broadcast %mul3A_86 : f32 to vector<128x128xf32>
      %mul3A_88 = arith.mulf %mul3A_87, %dot_general3A_75 : vector<128x128xf32>
      %sub3A = arith.subf %add3A_85, %mul3A_88 : vector<128x128xf32>
      %max3A = arith.constant 0.000000e+00 : f32
      %max3A_89 = vector.broadcast %max3A : f32 to vector<128x128xf32>
      %max3A_90 = arith.maximumf %sub3A, %max3A_89 : vector<128x128xf32>
      %add3A_91 = arith.constant 9.99999996E-13 : f32
      %add3A_92 = vector.broadcast %add3A_91 : f32 to vector<128x128xf32>
      %add3A_93 = arith.addf %max3A_90, %add3A_92 : vector<128x128xf32>
      %sqrt3A_94 = math.sqrt %add3A_93 : vector<128x128xf32>
      %mul3A_95 = arith.mulf %div3A, %sqrt3A_94 : vector<128x128xf32>
      %add3A_96 = arith.addf %broadcast_in_dim3A_68, %mul3A_95 : vector<128x128xf32>
      %sub3A_97 = arith.constant 1.000000e+00 : f32
      %sub3A_98 = vector.broadcast %sub3A_97 : f32 to vector<128x128xf32>
      %sub3A_99 = arith.subf %sub3A_98, %div3A : vector<128x128xf32>
      %sub3A_100 = arith.constant 4.200000e+00 : f32
      %sub3A_101 = vector.broadcast %sub3A_100 : f32 to vector<128x128xf32>
      %sub3A_102 = arith.subf %sub3A_101, %sqrt3A_94 : vector<128x128xf32>
      %max3A_103 = arith.constant 0.000000e+00 : f32
      %max3A_104 = vector.broadcast %max3A_103 : f32 to vector<128x128xf32>
      %max3A_105 = arith.maximumf %sub3A_102, %max3A_104 : vector<128x128xf32>
      %mul3A_106 = arith.mulf %sub3A_99, %max3A_105 : vector<128x128xf32>
      %add3A_107 = arith.addf %add3A_96, %mul3A_106 : vector<128x128xf32>
      %get3A_108 = arith.constant 1 : index
      %get3A_109 = arith.constant 0 : index
      %get3A_110 = arith.constant 0 : index
      %get3A_111 = vector.load %arg13[%get3A_108, %get3A_109, %get3A_110] : memref<2x128x128xf32, #tpu.memory_space<vmem>>, vector<1x128x128xf32>
      %get3A_112 = vector.shape_cast %get3A_111 : vector<1x128x128xf32> to vector<128x128xf32>
      %dot_general3A_113 = arith.constant dense<0.000000e+00> : vector<128x128xf32>
      %dot_general3A_114 = tpu.matmul %get3A_112, %get3A_112, %dot_general3A_113 {dimension_numbers = #tpu.dot_dimension_numbers<[1], [1], [0], [0], [0, 0, 1, 0], [], []>, precision = #tpu.contract_precision<fp32>, transpose_lhs_hint = false} : vector<128x128xf32>, vector<128x128xf32>, vector<128x128xf32> -> vector<128x128xf32>
      %mul3A_115 = arith.mulf %get3A_112, %get3A_112 : vector<128x128xf32>
      %dot_general3A_116 = arith.constant dense<0.000000e+00> : vector<1x128xf32>
      %dot_general3A_117 = tpu.matmul %broadcast_in_dim3A_66, %mul3A_115, %dot_general3A_116 {dimension_numbers = #tpu.dot_dimension_numbers<[1], [1], [0], [0], [0, 0, 1, 0], [], []>, precision = #tpu.contract_precision<fp32>, transpose_lhs_hint = false} : vector<1x128xf32>, vector<128x128xf32>, vector<1x128xf32> -> vector<1x128xf32>
      %dot_general3A_118 = arith.constant dense<0.000000e+00> : vector<128x1xf32>
      %dot_general3A_119 = tpu.matmul %mul3A_115, %broadcast_in_dim3A_66, %dot_general3A_118 {dimension_numbers = #tpu.dot_dimension_numbers<[1], [1], [0], [0], [0, 0, 1, 0], [], []>, precision = #tpu.contract_precision<fp32>, transpose_lhs_hint = false} : vector<128x128xf32>, vector<1x128xf32>, vector<128x1xf32> -> vector<128x1xf32>
      %sqrt3A_120 = math.sqrt %dot_general3A_119 : vector<128x1xf32>
      %sqrt3A_121 = math.sqrt %dot_general3A_117 : vector<1x128xf32>
      %mul3A_122 = vector.broadcast %sqrt3A_120 : vector<128x1xf32> to vector<128x128xf32>
      %mul3A_123 = vector.broadcast %sqrt3A_121 : vector<1x128xf32> to vector<128x128xf32>
      %mul3A_124 = arith.mulf %mul3A_122, %mul3A_123 : vector<128x128xf32>
      %div3A_125 = arith.divf %dot_general3A_114, %mul3A_124 : vector<128x128xf32>
      %add3A_126 = vector.broadcast %dot_general3A_119 : vector<128x1xf32> to vector<128x128xf32>
      %add3A_127 = vector.broadcast %dot_general3A_117 : vector<1x128xf32> to vector<128x128xf32>
      %add3A_128 = arith.addf %add3A_126, %add3A_127 : vector<128x128xf32>
      %mul3A_129 = arith.constant 2.000000e+00 : f32
      %mul3A_130 = vector.broadcast %mul3A_129 : f32 to vector<128x128xf32>
      %mul3A_131 = arith.mulf %mul3A_130, %dot_general3A_114 : vector<128x128xf32>
      %sub3A_132 = arith.subf %add3A_128, %mul3A_131 : vector<128x128xf32>
      %max3A_133 = arith.constant 0.000000e+00 : f32
      %max3A_134 = vector.broadcast %max3A_133 : f32 to vector<128x128xf32>
      %max3A_135 = arith.maximumf %sub3A_132, %max3A_134 : vector<128x128xf32>
      %add3A_136 = arith.constant 9.99999996E-13 : f32
      %add3A_137 = vector.broadcast %add3A_136 : f32 to vector<128x128xf32>
      %add3A_138 = arith.addf %max3A_135, %add3A_137 : vector<128x128xf32>
      %sqrt3A_139 = math.sqrt %add3A_138 : vector<128x128xf32>
      %mul3A_140 = arith.mulf %div3A_125, %sqrt3A_139 : vector<128x128xf32>
      %add3A_141 = arith.addf %add3A_107, %mul3A_140 : vector<128x128xf32>
      %sub3A_142 = arith.constant 1.000000e+00 : f32
      %sub3A_143 = vector.broadcast %sub3A_142 : f32 to vector<128x128xf32>
      %sub3A_144 = arith.subf %sub3A_143, %div3A_125 : vector<128x128xf32>
      %sub3A_145 = arith.constant 4.200000e+00 : f32
      %sub3A_146 = vector.broadcast %sub3A_145 : f32 to vector<128x128xf32>
      %sub3A_147 = arith.subf %sub3A_146, %sqrt3A_139 : vector<128x128xf32>
      %max3A_148 = arith.constant 0.000000e+00 : f32
      %max3A_149 = vector.broadcast %max3A_148 : f32 to vector<128x128xf32>
      %max3A_150 = arith.maximumf %sub3A_147, %max3A_149 : vector<128x128xf32>
      %mul3A_151 = arith.mulf %sub3A_144, %max3A_150 : vector<128x128xf32>
      %add3A_152 = arith.addf %add3A_141, %mul3A_151 : vector<128x128xf32>
      %mul3A_153 = arith.constant 5.000000e-01 : f32
      %mul3A_154 = vector.broadcast %mul3A_153 : f32 to vector<128x128xf32>
      %mul3A_155 = arith.mulf %add3A_152, %mul3A_154 : vector<128x128xf32>
      %abs3A = math.absf %mul3A_155 : vector<128x128xf32>
      %reduce_sum3A = vector.shape_cast %abs3A : vector<128x128xf32> to vector<1x128x128xf32>
      %reduce_sum3A_156 = arith.constant dense<0.000000e+00> : vector<1xf32>
      %reduce_sum3A_157 = vector.multi_reduction <add>, %reduce_sum3A, %reduce_sum3A_156 [1, 2] : vector<1x128x128xf32> to vector<1xf32>
      %reduce_sum3A_158 = vector.shape_cast %reduce_sum3A_157 : vector<1xf32> to vector<1x1x1xf32>
      %reduce_sum3A_159 = vector.extract %reduce_sum3A_158[0, 0, 0] : f32 from vector<1x1x1xf32>
      %broadcast_in_dim3A_160 = vector.broadcast %reduce_sum3A_159 : f32 to vector<1x1xf32>
      %div3A_161 = arith.constant 1.664100e+04 : f32
      %div3A_162 = vector.broadcast %div3A_161 : f32 to vector<1x1xf32>
      %div3A_163 = arith.divf %broadcast_in_dim3A_160, %div3A_162 : vector<1x1xf32>
      %swap3A_164 = arith.constant 0 : index
      %swap3A_165 = arith.constant 0 : index
      %swap3A_166 = vector.load %arg9[%swap3A_164, %swap3A_165] : memref<1x1xf32, #tpu.memory_space<vmem>>, vector<1x1xf32>
      tpu.vector_store %arg9[%swap3A_164, %swap3A_165], %div3A_163 {strides = array<i32>} : memref<1x1xf32, #tpu.memory_space<vmem>>, vector<1x1xf32>,
      %get3A_167 = arith.constant 0 : index
      %get3A_168 = arith.constant 0 : index
      %get3A_169 = arith.constant 0 : index
      %get3A_170 = vector.load %arg13[%get3A_167, %get3A_168, %get3A_169] : memref<2x128x128xf32, #tpu.memory_space<vmem>>, vector<2x128x128xf32>
      %reduce_sum3A_171 = vector.shape_cast %get3A_170 : vector<2x128x128xf32> to vector<1x2x128x128xf32>
      %reduce_sum3A_172 = arith.constant dense<0.000000e+00> : vector<1xf32>
      %reduce_sum3A_173 = vector.multi_reduction <add>, %reduce_sum3A_171, %reduce_sum3A_172 [1, 2, 3] : vector<1x2x128x128xf32> to vector<1xf32>
      %reduce_sum3A_174 = vector.shape_cast %reduce_sum3A_173 : vector<1xf32> to vector<1x1x1x1xf32>
      %reduce_sum3A_175 = vector.extract %reduce_sum3A_174[0, 0, 0, 0] : f32 from vector<1x1x1x1xf32>
      %broadcast_in_dim3A_176 = vector.broadcast %reduce_sum3A_175 : f32 to vector<1x1x1xf32>
      %reshape3A = vector.shape_cast %broadcast_in_dim3A_176 : vector<1x1x1xf32> to vector<1x1xf32>
      %swap3A_177 = arith.constant 0 : index
      %swap3A_178 = arith.constant 0 : index
      %swap3A_179 = vector.load %arg10[%swap3A_177, %swap3A_178] : memref<1x1xf32, #tpu.memory_space<vmem>>, vector<1x1xf32>
      tpu.vector_store %arg10[%swap3A_177, %swap3A_178], %reshape3A {strides = array<i32>} : memref<1x1xf32, #tpu.memory_space<vmem>>, vector<1x1xf32>,
    } else {
    }
    %eq3A_17 = arith.constant 1 : i32
    %eq3A_18 = arith.cmpi eq, %arg0, %eq3A_17 : i32
    %convert_element_type3A_19 = arith.extui %eq3A_18 : i1 to i32
    %cond3A_20 = arith.constant 0 : i32
    %cond3A_21 = arith.cmpi ne, %convert_element_type3A_19, %cond3A_20 : i32
    scf.if %cond3A_21 {
      %get3A = arith.constant 0 : index
      %get3A_27 = arith.constant 0 : index
      %get3A_28 = vector.load %arg6[%get3A, %get3A_27] : memref<128x2048xf32, #tpu.memory_space<vmem>>, vector<128x2048xf32>
      %broadcast_in_dim3A = arith.constant 1.000000e+00 : f32
      %broadcast_in_dim3A_29 = vector.broadcast %broadcast_in_dim3A : f32 to vector<1x128xf32>
      %dot_general3A = arith.constant dense<0.000000e+00> : vector<1x2048xf32>
      %dot_general3A_30 = tpu.matmul %broadcast_in_dim3A_29, %get3A_28, %dot_general3A {dimension_numbers = #tpu.dot_dimension_numbers<[1], [0], [0], [1], [0, 0, 1, 1], [], []>, precision = #tpu.contract_precision<fp32>, transpose_lhs_hint = false} : vector<1x128xf32>, vector<128x2048xf32>, vector<1x2048xf32> -> vector<1x2048xf32>
      %get3A_31 = arith.constant 0 : index
      %get3A_32 = arith.index_cast %arg1 : i32 to index
      %get3A_33 = arith.constant 0 : index
      %get3A_34 = arith.constant 0 : index
      %get3A_35 = vector.load %arg12[%get3A_31, %get3A_32, %get3A_33, %get3A_34] : memref<2x5x1x2048xf32, #tpu.memory_space<vmem>>, vector<1x1x1x2048xf32>
      %get3A_36 = vector.shape_cast %get3A_35 : vector<1x1x1x2048xf32> to vector<1x2048xf32>
      %get3A_37 = arith.constant 0 : index
      %get3A_38 = arith.constant 0 : index
      %get3A_39 = arith.constant 0 : index
      %get3A_40 = vector.load %arg14[%get3A_37, %get3A_38, %get3A_39] : memref<2x128x128xf32, #tpu.memory_space<vmem>>, vector<1x128x128xf32>
      %get3A_41 = vector.shape_cast %get3A_40 : vector<1x128x128xf32> to vector<128x128xf32>
      %slice3A = vector.extract_strided_slice %get3A_41 {offsets = [0, 0], sizes = [128, 1], strides = [1, 1]} : vector<128x128xf32> to vector<128x1xf32>
      %add3A = vector.broadcast %get3A_36 : vector<1x2048xf32> to vector<128x2048xf32>
      %add3A_42 = vector.broadcast %slice3A : vector<128x1xf32> to vector<128x2048xf32>
      %add3A_43 = arith.addf %add3A, %add3A_42 : vector<128x2048xf32>
      %gt3A = arith.constant 0.000000e+00 : f32
      %gt3A_44 = vector.broadcast %gt3A : f32 to vector<128x2048xf32>
      %gt3A_45 = arith.cmpf ogt, %add3A_43, %gt3A_44 : vector<128x2048xf32>
      %mul3A = arith.constant 2.000000e-01 : f32
      %mul3A_46 = vector.broadcast %mul3A : f32 to vector<128x2048xf32>
      %mul3A_47 = arith.mulf %mul3A_46, %add3A_43 : vector<128x2048xf32>
      %select_n3A = arith.select %gt3A_45, %add3A_43, %mul3A_47 : vector<128x2048xi1>, vector<128x2048xf32>
      %gt3A_48 = arith.constant 0.000000e+00 : f32
      %gt3A_49 = vector.broadcast %gt3A_48 : f32 to vector<128x2048xf32>
      %gt3A_50 = arith.cmpf ogt, %get3A_28, %gt3A_49 : vector<128x2048xf32>
      %broadcast_in_dim3A_51 = vector.shape_cast %slice3A : vector<128x1xf32> to vector<128x1xf32>
      %broadcast_in_dim3A_52 = vector.broadcast %broadcast_in_dim3A_51 : vector<128x1xf32> to vector<128x2048xf32>
      %jit3A = arith.constant -1.000000e+30 : f32
      %broadcast_in_dim3A_53 = vector.broadcast %jit3A : f32 to vector<128x2048xf32>
      %select_n3A_54 = arith.select %gt3A_50, %broadcast_in_dim3A_52, %broadcast_in_dim3A_53 : vector<128x2048xi1>, vector<128x2048xf32>
      %reduce_max3A = arith.constant dense<0xFF800000> : vector<2048xf32>
      %reduce_max3A_55 = vector.multi_reduction <maximumf>, %select_n3A_54, %reduce_max3A [0] : vector<128x2048xf32> to vector<2048xf32>
      %broadcast_in_dim3A_56 = vector.shape_cast %reduce_max3A_55 : vector<2048xf32> to vector<1x2048xf32>
      %add3A_57 = arith.addf %get3A_36, %broadcast_in_dim3A_56 : vector<1x2048xf32>
      %gt3A_58 = arith.constant 0.000000e+00 : f32
      %gt3A_59 = vector.broadcast %gt3A_58 : f32 to vector<1x2048xf32>
      %gt3A_60 = arith.cmpf ogt, %add3A_57, %gt3A_59 : vector<1x2048xf32>
      %mul3A_61 = arith.constant 2.000000e-01 : f32
      %mul3A_62 = vector.broadcast %mul3A_61 : f32 to vector<1x2048xf32>
      %mul3A_63 = arith.mulf %mul3A_62, %add3A_57 : vector<1x2048xf32>
      %select_n3A_64 = arith.select %gt3A_60, %add3A_57, %mul3A_63 : vector<1x2048xi1>, vector<1x2048xf32>
      %sub3A = vector.broadcast %select_n3A_64 : vector<1x2048xf32> to vector<128x2048xf32>
      %sub3A_65 = arith.subf %select_n3A, %sub3A : vector<128x2048xf32>
      %min3A = arith.constant 6.000000e+01 : f32
      %min3A_66 = vector.broadcast %min3A : f32 to vector<128x2048xf32>
      %min3A_67 = arith.minimumf %sub3A_65, %min3A_66 : vector<128x2048xf32>
      %exp3A = math.exp %min3A_67 : vector<128x2048xf32>
      %mul3A_68 = arith.mulf %get3A_28, %exp3A : vector<128x2048xf32>
      %reduce_sum3A = arith.constant dense<0.000000e+00> : vector<2048xf32>
      %reduce_sum3A_69 = vector.multi_reduction <add>, %mul3A_68, %reduce_sum3A [0] : vector<128x2048xf32> to vector<2048xf32>
      %broadcast_in_dim3A_70 = vector.shape_cast %reduce_sum3A_69 : vector<2048xf32> to vector<1x2048xf32>
      %add3A_71 = arith.constant 1.000000e-16 : f32
      %add3A_72 = vector.broadcast %add3A_71 : f32 to vector<1x2048xf32>
      %add3A_73 = arith.addf %broadcast_in_dim3A_70, %add3A_72 : vector<1x2048xf32>
      %div3A = arith.constant 1.000000e+00 : f32
      %div3A_74 = vector.broadcast %div3A : f32 to vector<1x2048xf32>
      %div3A_75 = arith.divf %div3A_74, %add3A_73 : vector<1x2048xf32>
      %mul3A_76 = arith.mulf %div3A_75, %dot_general3A_30 : vector<1x2048xf32>
      %mul3A_77 = vector.broadcast %mul3A_76 : vector<1x2048xf32> to vector<128x2048xf32>
      %mul3A_78 = arith.mulf %mul3A_68, %mul3A_77 : vector<128x2048xf32>
      %convert_element_type3A_79 = arith.truncf %mul3A_78 : vector<128x2048xf32> to vector<128x2048xbf16>
      %swap3A = arith.constant 0 : index
      %swap3A_80 = arith.index_cast %arg1 : i32 to index
      %swap3A_81 = arith.constant 0 : index
      %swap3A_82 = arith.constant 0 : index
      %swap3A_83 = vector.load %arg15[%swap3A, %swap3A_80, %swap3A_81, %swap3A_82] : memref<2x5x128x2048xbf16, #tpu.memory_space<vmem>>, vector<1x1x128x2048xbf16>
      %swap3A_84 = vector.shape_cast %swap3A_83 : vector<1x1x128x2048xbf16> to vector<128x2048xbf16>
      %swap3A_85 = vector.shape_cast %convert_element_type3A_79 : vector<128x2048xbf16> to vector<1x1x128x2048xbf16>
      tpu.vector_store %arg15[%swap3A, %swap3A_80, %swap3A_81, %swap3A_82], %swap3A_85 {strides = array<i32>} : memref<2x5x128x2048xbf16, #tpu.memory_space<vmem>>, vector<1x1x128x2048xbf16>,
      %get3A_86 = arith.constant 0 : index
      %get3A_87 = arith.constant 0 : index
      %get3A_88 = arith.constant 0 : index
      %get3A_89 = vector.load %arg16[%get3A_86, %get3A_87, %get3A_88] : memref<2x128x128xf32, #tpu.memory_space<vmem>>, vector<1x128x128xf32>
      %get3A_90 = vector.shape_cast %get3A_89 : vector<1x128x128xf32> to vector<128x128xf32>
      %mul3A_91 = vector.broadcast %div3A_75 : vector<1x2048xf32> to vector<128x2048xf32>
      %mul3A_92 = arith.mulf %mul3A_68, %mul3A_91 : vector<128x2048xf32>
      %get3A_93 = arith.constant 0 : index
      %get3A_94 = arith.index_cast %arg1 : i32 to index
      %get3A_95 = arith.constant 0 : index
      %get3A_96 = arith.constant 0 : index
      %get3A_97 = vector.load %arg11[%get3A_93, %get3A_94, %get3A_95, %get3A_96] : memref<2x5x2048x128xf32, #tpu.memory_space<vmem>>, vector<1x1x2048x128xf32>
      %get3A_98 = vector.shape_cast %get3A_97 : vector<1x1x2048x128xf32> to vector<2048x128xf32>
      %dot_general3A_99 = arith.constant dense<0.000000e+00> : vector<128x128xf32>
      %dot_general3A_100 = tpu.matmul %mul3A_92, %get3A_98, %dot_general3A_99 {dimension_numbers = #tpu.dot_dimension_numbers<[1], [0], [0], [1], [0, 0, 1, 1], [], []>, transpose_lhs_hint = false} : vector<128x2048xf32>, vector<2048x128xf32>, vector<128x128xf32> -> vector<128x128xf32>
      %mul3A_101 = arith.constant 8.000000e-04 : f32
      %mul3A_102 = vector.broadcast %mul3A_101 : f32 to vector<128x128xf32>
      %mul3A_103 = arith.mulf %mul3A_102, %dot_general3A_100 : vector<128x128xf32>
      %add3A_104 = arith.addf %get3A_90, %mul3A_103 : vector<128x128xf32>
      %swap3A_105 = arith.constant 0 : index
      %swap3A_106 = arith.constant 0 : index
      %swap3A_107 = arith.constant 0 : index
      %swap3A_108 = vector.load %arg16[%swap3A_105, %swap3A_106, %swap3A_107] : memref<2x128x128xf32, #tpu.memory_space<vmem>>, vector<1x128x128xf32>
      %swap3A_109 = vector.shape_cast %swap3A_108 : vector<1x128x128xf32> to vector<128x128xf32>
      %swap3A_110 = vector.shape_cast %add3A_104 : vector<128x128xf32> to vector<1x128x128xf32>
      tpu.vector_store %arg16[%swap3A_105, %swap3A_106, %swap3A_107], %swap3A_110 {strides = array<i32>} : memref<2x128x128xf32, #tpu.memory_space<vmem>>, vector<1x128x128xf32>,
      %get3A_111 = arith.constant 1 : index
      %get3A_112 = arith.index_cast %arg1 : i32 to index
      %get3A_113 = arith.constant 0 : index
      %get3A_114 = arith.constant 0 : index
      %get3A_115 = vector.load %arg12[%get3A_111, %get3A_112, %get3A_113, %get3A_114] : memref<2x5x1x2048xf32, #tpu.memory_space<vmem>>, vector<1x1x1x2048xf32>
      %get3A_116 = vector.shape_cast %get3A_115 : vector<1x1x1x2048xf32> to vector<1x2048xf32>
      %get3A_117 = arith.constant 1 : index
      %get3A_118 = arith.constant 0 : index
      %get3A_119 = arith.constant 0 : index
      %get3A_120 = vector.load %arg14[%get3A_117, %get3A_118, %get3A_119] : memref<2x128x128xf32, #tpu.memory_space<vmem>>, vector<1x128x128xf32>
      %get3A_121 = vector.shape_cast %get3A_120 : vector<1x128x128xf32> to vector<128x128xf32>
      %slice3A_122 = vector.extract_strided_slice %get3A_121 {offsets = [0, 0], sizes = [128, 1], strides = [1, 1]} : vector<128x128xf32> to vector<128x1xf32>
      %add3A_123 = vector.broadcast %get3A_116 : vector<1x2048xf32> to vector<128x2048xf32>
      %add3A_124 = vector.broadcast %slice3A_122 : vector<128x1xf32> to vector<128x2048xf32>
      %add3A_125 = arith.addf %add3A_123, %add3A_124 : vector<128x2048xf32>
      %gt3A_126 = arith.constant 0.000000e+00 : f32
      %gt3A_127 = vector.broadcast %gt3A_126 : f32 to vector<128x2048xf32>
      %gt3A_128 = arith.cmpf ogt, %add3A_125, %gt3A_127 : vector<128x2048xf32>
      %mul3A_129 = arith.constant 2.000000e-01 : f32
      %mul3A_130 = vector.broadcast %mul3A_129 : f32 to vector<128x2048xf32>
      %mul3A_131 = arith.mulf %mul3A_130, %add3A_125 : vector<128x2048xf32>
      %select_n3A_132 = arith.select %gt3A_128, %add3A_125, %mul3A_131 : vector<128x2048xi1>, vector<128x2048xf32>
      %gt3A_133 = arith.constant 0.000000e+00 : f32
      %gt3A_134 = vector.broadcast %gt3A_133 : f32 to vector<128x2048xf32>
      %gt3A_135 = arith.cmpf ogt, %get3A_28, %gt3A_134 : vector<128x2048xf32>
      %broadcast_in_dim3A_136 = vector.shape_cast %slice3A_122 : vector<128x1xf32> to vector<128x1xf32>
      %broadcast_in_dim3A_137 = vector.broadcast %broadcast_in_dim3A_136 : vector<128x1xf32> to vector<128x2048xf32>
      %jit3A_138 = arith.constant -1.000000e+30 : f32
      %broadcast_in_dim3A_139 = vector.broadcast %jit3A_138 : f32 to vector<128x2048xf32>
      %select_n3A_140 = arith.select %gt3A_135, %broadcast_in_dim3A_137, %broadcast_in_dim3A_139 : vector<128x2048xi1>, vector<128x2048xf32>
      %reduce_max3A_141 = arith.constant dense<0xFF800000> : vector<2048xf32>
      %reduce_max3A_142 = vector.multi_reduction <maximumf>, %select_n3A_140, %reduce_max3A_141 [0] : vector<128x2048xf32> to vector<2048xf32>
      %broadcast_in_dim3A_143 = vector.shape_cast %reduce_max3A_142 : vector<2048xf32> to vector<1x2048xf32>
      %add3A_144 = arith.addf %get3A_116, %broadcast_in_dim3A_143 : vector<1x2048xf32>
      %gt3A_145 = arith.constant 0.000000e+00 : f32
      %gt3A_146 = vector.broadcast %gt3A_145 : f32 to vector<1x2048xf32>
      %gt3A_147 = arith.cmpf ogt, %add3A_144, %gt3A_146 : vector<1x2048xf32>
      %mul3A_148 = arith.constant 2.000000e-01 : f32
      %mul3A_149 = vector.broadcast %mul3A_148 : f32 to vector<1x2048xf32>
      %mul3A_150 = arith.mulf %mul3A_149, %add3A_144 : vector<1x2048xf32>
      %select_n3A_151 = arith.select %gt3A_147, %add3A_144, %mul3A_150 : vector<1x2048xi1>, vector<1x2048xf32>
      %sub3A_152 = vector.broadcast %select_n3A_151 : vector<1x2048xf32> to vector<128x2048xf32>
      %sub3A_153 = arith.subf %select_n3A_132, %sub3A_152 : vector<128x2048xf32>
      %min3A_154 = arith.constant 6.000000e+01 : f32
      %min3A_155 = vector.broadcast %min3A_154 : f32 to vector<128x2048xf32>
      %min3A_156 = arith.minimumf %sub3A_153, %min3A_155 : vector<128x2048xf32>
      %exp3A_157 = math.exp %min3A_156 : vector<128x2048xf32>
      %mul3A_158 = arith.mulf %get3A_28, %exp3A_157 : vector<128x2048xf32>
      %reduce_sum3A_159 = arith.constant dense<0.000000e+00> : vector<2048xf32>
      %reduce_sum3A_160 = vector.multi_reduction <add>, %mul3A_158, %reduce_sum3A_159 [0] : vector<128x2048xf32> to vector<2048xf32>
      %broadcast_in_dim3A_161 = vector.shape_cast %reduce_sum3A_160 : vector<2048xf32> to vector<1x2048xf32>
      %add3A_162 = arith.constant 1.000000e-16 : f32
      %add3A_163 = vector.broadcast %add3A_162 : f32 to vector<1x2048xf32>
      %add3A_164 = arith.addf %broadcast_in_dim3A_161, %add3A_163 : vector<1x2048xf32>
      %div3A_165 = arith.constant 1.000000e+00 : f32
      %div3A_166 = vector.broadcast %div3A_165 : f32 to vector<1x2048xf32>
      %div3A_167 = arith.divf %div3A_166, %add3A_164 : vector<1x2048xf32>
      %mul3A_168 = arith.mulf %div3A_167, %dot_general3A_30 : vector<1x2048xf32>
      %mul3A_169 = vector.broadcast %mul3A_168 : vector<1x2048xf32> to vector<128x2048xf32>
      %mul3A_170 = arith.mulf %mul3A_158, %mul3A_169 : vector<128x2048xf32>
      %convert_element_type3A_171 = arith.truncf %mul3A_170 : vector<128x2048xf32> to vector<128x2048xbf16>
      %swap3A_172 = arith.constant 1 : index
      %swap3A_173 = arith.index_cast %arg1 : i32 to index
      %swap3A_174 = arith.constant 0 : index
      %swap3A_175 = arith.constant 0 : index
      %swap3A_176 = vector.load %arg15[%swap3A_172, %swap3A_173, %swap3A_174, %swap3A_175] : memref<2x5x128x2048xbf16, #tpu.memory_space<vmem>>, vector<1x1x128x2048xbf16>
      %swap3A_177 = vector.shape_cast %swap3A_176 : vector<1x1x128x2048xbf16> to vector<128x2048xbf16>
      %swap3A_178 = vector.shape_cast %convert_element_type3A_171 : vector<128x2048xbf16> to vector<1x1x128x2048xbf16>
      tpu.vector_store %arg15[%swap3A_172, %swap3A_173, %swap3A_174, %swap3A_175], %swap3A_178 {strides = array<i32>} : memref<2x5x128x2048xbf16, #tpu.memory_space<vmem>>, vector<1x1x128x2048xbf16>,
      %get3A_179 = arith.constant 1 : index
      %get3A_180 = arith.constant 0 : index
      %get3A_181 = arith.constant 0 : index
      %get3A_182 = vector.load %arg16[%get3A_179, %get3A_180, %get3A_181] : memref<2x128x128xf32, #tpu.memory_space<vmem>>, vector<1x128x128xf32>
      %get3A_183 = vector.shape_cast %get3A_182 : vector<1x128x128xf32> to vector<128x128xf32>
      %mul3A_184 = vector.broadcast %div3A_167 : vector<1x2048xf32> to vector<128x2048xf32>
      %mul3A_185 = arith.mulf %mul3A_158, %mul3A_184 : vector<128x2048xf32>
      %get3A_186 = arith.constant 1 : index
      %get3A_187 = arith.index_cast %arg1 : i32 to index
      %get3A_188 = arith.constant 0 : index
      %get3A_189 = arith.constant 0 : index
      %get3A_190 = vector.load %arg11[%get3A_186, %get3A_187, %get3A_188, %get3A_189] : memref<2x5x2048x128xf32, #tpu.memory_space<vmem>>, vector<1x1x2048x128xf32>
      %get3A_191 = vector.shape_cast %get3A_190 : vector<1x1x2048x128xf32> to vector<2048x128xf32>
      %dot_general3A_192 = arith.constant dense<0.000000e+00> : vector<128x128xf32>
      %dot_general3A_193 = tpu.matmul %mul3A_185, %get3A_191, %dot_general3A_192 {dimension_numbers = #tpu.dot_dimension_numbers<[1], [0], [0], [1], [0, 0, 1, 1], [], []>, transpose_lhs_hint = false} : vector<128x2048xf32>, vector<2048x128xf32>, vector<128x128xf32> -> vector<128x128xf32>
      %mul3A_194 = arith.constant 8.000000e-04 : f32
      %mul3A_195 = vector.broadcast %mul3A_194 : f32 to vector<128x128xf32>
      %mul3A_196 = arith.mulf %mul3A_195, %dot_general3A_193 : vector<128x128xf32>
      %add3A_197 = arith.addf %get3A_183, %mul3A_196 : vector<128x128xf32>
      %swap3A_198 = arith.constant 1 : index
      %swap3A_199 = arith.constant 0 : index
      %swap3A_200 = arith.constant 0 : index
      %swap3A_201 = vector.load %arg16[%swap3A_198, %swap3A_199, %swap3A_200] : memref<2x128x128xf32, #tpu.memory_space<vmem>>, vector<1x128x128xf32>
      %swap3A_202 = vector.shape_cast %swap3A_201 : vector<1x128x128xf32> to vector<128x128xf32>
      %swap3A_203 = vector.shape_cast %add3A_197 : vector<128x128xf32> to vector<1x128x128xf32>
      tpu.vector_store %arg16[%swap3A_198, %swap3A_199, %swap3A_200], %swap3A_203 {strides = array<i32>} : memref<2x128x128xf32, #tpu.memory_space<vmem>>, vector<1x128x128xf32>,
    } else {
    }
    %eq3A_22 = arith.constant 2 : i32
    %eq3A_23 = arith.cmpi eq, %arg0, %eq3A_22 : i32
    %convert_element_type3A_24 = arith.extui %eq3A_23 : i1 to i32
    %cond3A_25 = arith.constant 0 : i32
    %cond3A_26 = arith.cmpi ne, %convert_element_type3A_24, %cond3A_25 : i32
    scf.if %cond3A_26 {
      %get3A = arith.constant 0 : index
      %get3A_27 = arith.index_cast %arg1 : i32 to index
      %get3A_28 = arith.constant 0 : index
      %get3A_29 = arith.constant 0 : index
      %get3A_30 = vector.load %arg15[%get3A, %get3A_27, %get3A_28, %get3A_29] : memref<2x5x128x2048xbf16, #tpu.memory_space<vmem>>, vector<1x1x128x2048xbf16>
      %get3A_31 = vector.shape_cast %get3A_30 : vector<1x1x128x2048xbf16> to vector<128x2048xbf16>
      %get3A_32 = arith.constant 0 : index
      %get3A_33 = arith.constant 0 : index
      %get3A_34 = arith.constant 0 : index
      %get3A_35 = vector.load %arg16[%get3A_32, %get3A_33, %get3A_34] : memref<2x128x128xf32, #tpu.memory_space<vmem>>, vector<1x128x128xf32>
      %get3A_36 = vector.shape_cast %get3A_35 : vector<1x128x128xf32> to vector<128x128xf32>
      %convert_element_type3A_37 = arith.truncf %get3A_36 : vector<128x128xf32> to vector<128x128xbf16>
      %dot_general3A = arith.constant dense<0.000000e+00> : vector<2048x128xf32>
      %dot_general3A_38 = tpu.matmul %get3A_31, %convert_element_type3A_37, %dot_general3A {dimension_numbers = #tpu.dot_dimension_numbers<[0], [0], [1], [1], [0, 1, 1, 1], [], []>, transpose_lhs_hint = false} : vector<128x2048xbf16>, vector<128x128xbf16>, vector<2048x128xf32> -> vector<2048x128xf32>
      %swap3A = arith.constant 0 : index
      %swap3A_39 = arith.constant 0 : index
      %swap3A_40 = arith.constant 0 : index
      %swap3A_41 = vector.load %arg7[%swap3A, %swap3A_39, %swap3A_40] : memref<2x2048x128xf32, #tpu.memory_space<vmem>>, vector<1x2048x128xf32>
      %swap3A_42 = vector.shape_cast %swap3A_41 : vector<1x2048x128xf32> to vector<2048x128xf32>
      %swap3A_43 = vector.shape_cast %dot_general3A_38 : vector<2048x128xf32> to vector<1x2048x128xf32>
      tpu.vector_store %arg7[%swap3A, %swap3A_39, %swap3A_40], %swap3A_43 {strides = array<i32>} : memref<2x2048x128xf32, #tpu.memory_space<vmem>>, vector<1x2048x128xf32>,
      %get3A_44 = arith.constant 1 : index
      %get3A_45 = arith.index_cast %arg1 : i32 to index
      %get3A_46 = arith.constant 0 : index
      %get3A_47 = arith.constant 0 : index
      %get3A_48 = vector.load %arg15[%get3A_44, %get3A_45, %get3A_46, %get3A_47] : memref<2x5x128x2048xbf16, #tpu.memory_space<vmem>>, vector<1x1x128x2048xbf16>
      %get3A_49 = vector.shape_cast %get3A_48 : vector<1x1x128x2048xbf16> to vector<128x2048xbf16>
      %get3A_50 = arith.constant 1 : index
      %get3A_51 = arith.constant 0 : index
      %get3A_52 = arith.constant 0 : index
      %get3A_53 = vector.load %arg16[%get3A_50, %get3A_51, %get3A_52] : memref<2x128x128xf32, #tpu.memory_space<vmem>>, vector<1x128x128xf32>
      %get3A_54 = vector.shape_cast %get3A_53 : vector<1x128x128xf32> to vector<128x128xf32>
      %convert_element_type3A_55 = arith.truncf %get3A_54 : vector<128x128xf32> to vector<128x128xbf16>
      %dot_general3A_56 = arith.constant dense<0.000000e+00> : vector<2048x128xf32>
      %dot_general3A_57 = tpu.matmul %get3A_49, %convert_element_type3A_55, %dot_general3A_56 {dimension_numbers = #tpu.dot_dimension_numbers<[0], [0], [1], [1], [0, 1, 1, 1], [], []>, transpose_lhs_hint = false} : vector<128x2048xbf16>, vector<128x128xbf16>, vector<2048x128xf32> -> vector<2048x128xf32>
      %swap3A_58 = arith.constant 1 : index
      %swap3A_59 = arith.constant 0 : index
      %swap3A_60 = arith.constant 0 : index
      %swap3A_61 = vector.load %arg7[%swap3A_58, %swap3A_59, %swap3A_60] : memref<2x2048x128xf32, #tpu.memory_space<vmem>>, vector<1x2048x128xf32>
      %swap3A_62 = vector.shape_cast %swap3A_61 : vector<1x2048x128xf32> to vector<2048x128xf32>
      %swap3A_63 = vector.shape_cast %dot_general3A_57 : vector<2048x128xf32> to vector<1x2048x128xf32>
      tpu.vector_store %arg7[%swap3A_58, %swap3A_59, %swap3A_60], %swap3A_63 {strides = array<i32>} : memref<2x2048x128xf32, #tpu.memory_space<vmem>>, vector<1x2048x128xf32>,
    } else {
    }
    return
  }
  func.func @transform_0(%arg0: i32, %arg1: i32) -> (i32, i32, i32) {
    %eq3A = arith.constant 0 : i32
    %eq3A_0 = arith.cmpi eq, %arg0, %eq3A : i32
    %jit3A = arith.constant 4 : i32
    %select_n3A = arith.select %eq3A_0, %arg1, %jit3A : i32
    %c0_i32 = arith.constant 0 : i32
    %c0_i32_1 = arith.constant 0 : i32
    %c0_i32_2 = arith.constant 0 : i32
    return %c0_i32, %select_n3A, %c0_i32_1 : i32, i32, i32
  }
  func.func @transform_1(%arg0: i32, %arg1: i32) -> (i32, i32) {
    %c0_i32 = arith.constant 0 : i32
    %c0_i32_0 = arith.constant 0 : i32
    %c0_i32_1 = arith.constant 0 : i32
    return %c0_i32, %c0_i32_0 : i32, i32
  }
  func.func @transform_2(%arg0: i32, %arg1: i32) -> (i32, i32) {
    %c0_i32 = arith.constant 0 : i32
    %c0_i32_0 = arith.constant 0 : i32
    %c0_i32_1 = arith.constant 0 : i32
    return %c0_i32, %c0_i32_0 : i32, i32
  }
  func.func @transform_3(%arg0: i32, %arg1: i32) -> (i32, i32) {
    %c0_i32 = arith.constant 0 : i32
    %c0_i32_0 = arith.constant 0 : i32
    %c0_i32_1 = arith.constant 0 : i32
    return %c0_i32, %c0_i32_0 : i32, i32
  }
  func.func @transform_4(%arg0: i32, %arg1: i32) -> (i32, i32) {
    %eq3A = arith.constant 2 : i32
    %eq3A_0 = arith.cmpi eq, %arg0, %eq3A : i32
    %jit3A = arith.constant 4 : i32
    %select_n3A = arith.select %eq3A_0, %jit3A, %arg1 : i32
    %c0_i32 = arith.constant 0 : i32
    %c0_i32_1 = arith.constant 0 : i32
    return %c0_i32, %select_n3A : i32, i32
  }
  func.func @transform_5(%arg0: i32, %arg1: i32) -> (i32, i32, i32) {
    %eq3A = arith.constant 2 : i32
    %eq3A_0 = arith.cmpi eq, %arg0, %eq3A : i32
    %jit3A = arith.constant 0 : i32
    %select_n3A = arith.select %eq3A_0, %arg1, %jit3A : i32
    %c0_i32 = arith.constant 0 : i32
    %c0_i32_1 = arith.constant 0 : i32
    %c0_i32_2 = arith.constant 0 : i32
    return %c0_i32, %select_n3A, %c0_i32_1 : i32, i32, i32
  }
  func.func @transform_6(%arg0: i32, %arg1: i32) -> (i32, i32) {
    %c0_i32 = arith.constant 0 : i32
    %c0_i32_0 = arith.constant 0 : i32
    %c0_i32_1 = arith.constant 0 : i32
    return %c0_i32, %c0_i32_0 : i32, i32
  }
  func.func @transform_7(%arg0: i32, %arg1: i32) -> (i32, i32) {
    %c0_i32 = arith.constant 0 : i32
    %c0_i32_0 = arith.constant 0 : i32
    %c0_i32_1 = arith.constant 0 : i32
    return %c0_i32, %c0_i32_0 : i32, i32
  }
  func.func @transform_8(%arg0: i32, %arg1: i32) -> (i32, i32) {
    %c0_i32 = arith.constant 0 : i32
    %c0_i32_0 = arith.constant 0 : i32
    %c0_i32_1 = arith.constant 0 : i32
    return %c0_i32, %c0_i32_0 : i32, i32
  }
}

</mosaic_0001>

<sc_bundles>
// kernel: kernel.4.cloned.1.call-start
scs
__scs_entry_jumppad:
0x0: {  	(pc) =	sbr.rel $0x88, $3  }
0x1: {  	(tag) =	ssettag $0x0;
	lr =	simm.s32 $0x1  }
0x2: {  	[smem:$0x3F9D] =	sst lr;
	_ =	strace $0xD0000000  }
0x3: {  	_ = 	snop  }
0x4: {  	_ = 	snop  }
0x5: {  	_ = 	snop  }
0x6: {  	_ = 	snop  }
0x7: {  	_ = 	snop  }
__scs_overlays_trampoline_lowered:
0x8: {  	[smem:$0x3FAC] =	sst s0  }
0x9: {  	[smem:$0x3FAD] =	sst s1  }
0xa: {  	[smem:$0x3FAE] =	sst s2  }
0xb: {  	[smem:$0x3FAF] =	sst s3  }
0xc: {  	[smem:$0x3FB0] =	sst s4  }
0xd: {  	[smem:$0x3FB1] =	sst s5  }
0xe: {  	[smem:$0x3FB2] =	sst s6  }
0xf: {  	[smem:$0x3FB3] =	sst s7  }
0x10: {  	[smem:$0x3FB4] =	sst s8  }
0x11: {  	[smem:$0x3FB5] =	sst s9;
	s0 =	simm.s32 @!p0 $0x0  }
0x12: {  	s1 =	sld [smem:$0x3F9B];
	s0 =	simm.s32 @p0 $0x1  }
0x13: {  	[smem:$0x3FB6] =	sst s0;
	s0 =	simm.s32 @!p1 $0x0  }
0x14: {  	s2 =	sld [smem:$0x3F9A];
	s0 =	simm.s32 @p1 $0x1  }
0x15: {  	[smem:$0x3FB7] =	sst s0;
	s0 =	simm.s32 @!p2 $0x0  }
0x16: {  	s3 =	sld [smem:$0x3FDB];
	s0 =	simm.s32 @p2 $0x1  }
0x17: {  	s4 =	simm.s32 $0x1BF5;
	[smem:$0x3FB9] =	sst s0  }
0x18: {  	s0 =	sld [smem:$0x3F9C];
	_ =	swait.ge [sflag:s4], $0x0  }
0x19: {  	s7 =	sld [smem:$0x3F9D]  }
0x1a: {  	s8 =	sadd.s32 $0xFFFFE003, lr  }
0x1b: {  	s9 =	sadd.s32 $0xFFFFFEF7, lr;
	s5 =	simm.s32 $0xFFFFFFFF;
	p2 =	slt.u32 s8, $0xFFFFF086  }
0x1c: {  	p1 =	slt.u32 s9, $0xF7A;
	s5 =	simm.s32 @!p2 $0x0  }
0x1d: {  	s5 =	simm.s32 @p1 $0x1;
	p0 =	seq.s32 s7, s2  }
0x1e: {  	s7 =	smul.u32 @!p0 $0xF7A, s2;
	p2 =	seq.s32 @!p0 s5, $0x0  }
0x1f: {  	s9 =	smul.u32 $0xF7A, s1;
	s8 =	simm.s32 @!p0 $0x1BF5;
	p2 =	por !p2, p0  }
0x20: {  	[sflag:s8] =	ssyncset.s32 @!p0 $0xFFFFF086;
	s6 =	sadd.s32 @!p0 s3, s7;
	s7 =	simm.s32 @!p0 $0x108  }
0x21: {  	s3 =	sadd.s32 s3, s9;
	s6 =	sadd.s32 @!p0 $0x88, s6;
	s7 =	simm.s32 @p2 $0x1082  }
0x22: {  	[simem:s7], [sflag:s8] =	dma.local @!p0 [hbm:s6], $0xF7A  }
0x23: {  	s9 =	sor.u32 $0xD0000000, s2;
	s6 =	simm.s32 $0x108;
	_ =	swait.ge @!p0 [sflag:s8], $0x0  }
0x24: {  	s3 =	sadd.s32 $0x88, s3;
	s6 =	simm.s32 @!p1 $0x1082;
	[sflag:s4] =	ssyncset.s32 $0xFFFFF086  }
0x25: {  	[simem:s6], [sflag:s4] =	dma.local [hbm:s3], $0xF7A  }
0x26: {  	[smem:$0x3F9D] =	sst s1;
	(tag) =	ssettag s2;
	_ =	strace s9  }
0x27: {  	s1 =	sld [smem:$0x3FAD]  }
0x28: {  	s2 =	sld [smem:$0x3FAE]  }
0x29: {  	s4 =	sld [smem:$0x3FB0]  }
0x2a: {  	p0 =	seq.s32 s5, $0x0;
	s5 =	sld [smem:$0x3FB1]  }
0x2b: {  	s6 =	sld [smem:$0x3FB2]  }
0x2c: {  	s7 =	sld [smem:$0x3FB3]  }
0x2d: {  	s3 =	simm.s32 $0x108;
	s8 =	sld [smem:$0x3FB4]  }
0x2e: {  	s3 =	simm.s32 @!p0 $0x1082;
	s9 =	sld [smem:$0x3FB5]  }
0x2f: {  	lr =	sadd.s32 s0, s3;
	s0 =	sld [smem:$0x3FAC]  }
0x30: {  	s3 =	sld [smem:$0x3FAF]  }
0x31: {  	[smem:$0x3FB8] =	sst s10  }
0x32: {  	s10 =	sld [smem:$0x3FB6];
	_ =	sdelay $0x3  }
0x33: {  	p0 =	seq.s32 s10, $0x1;
	s10 =	sld [smem:$0x3FB8];
	_ =	sdelay $0x3  }
0x34: {  	[smem:$0x3FB8] =	sst s10  }
0x35: {  	s10 =	sld [smem:$0x3FB7];
	_ =	sdelay $0x3  }
0x36: {  	p1 =	seq.s32 s10, $0x1;
	s10 =	sld [smem:$0x3FB8];
	_ =	sdelay $0x3  }
0x37: {  	[smem:$0x3FB8] =	sst s10  }
0x38: {  	s10 =	sld [smem:$0x3FB9]  }
0x39: {  	_ = 	snop;
	(pc) =	sbr.ind lr, $3  }
0x3a: {  	_ = 	snop  }
0x3b: {  	_ = 	snop  }
0x3c: {  	p2 =	seq.s32 s10, $0x1;
	s10 =	sld [smem:$0x3FB8]  }
0x3d: {  	_ =	shalt  }
0x3e: {  	_ =	shalt  }
0x3f: {  	_ =	shalt  }
0x40: {  	_ =	shalt  }
0x41: {  	_ =	shalt  }
0x42: {  	_ =	shalt  }
0x43: {  	_ =	shalt  }
0x44: {  	_ =	shalt  }
0x45: {  	_ =	shalt  }
0x46: {  	_ =	shalt  }
0x47: {  	_ =	shalt  }
0x48: {  	_ =	shalt  }
0x49: {  	_ =	shalt  }
0x4a: {  	_ =	shalt  }
0x4b: {  	_ =	shalt  }
0x4c: {  	_ =	shalt  }
0x4d: {  	_ =	shalt  }
0x4e: {  	_ =	shalt  }
0x4f: {  	_ =	shalt  }
0x50: {  	_ =	shalt  }
0x51: {  	_ =	shalt  }
0x52: {  	_ =	shalt  }
0x53: {  	_ =	shalt  }
0x54: {  	_ =	shalt  }
0x55: {  	_ =	shalt  }
0x56: {  	_ =	shalt  }
0x57: {  	_ =	shalt  }
0x58: {  	_ =	shalt  }
0x59: {  	_ =	shalt  }
0x5a: {  	_ =	shalt  }
0x5b: {  	_ =	shalt  }
0x5c: {  	_ =	shalt  }
0x5d: {  	_ =	shalt  }
0x5e: {  	_ =	shalt  }
0x5f: {  	_ =	shalt  }
0x60: {  	_ =	shalt  }
0x61: {  	_ =	shalt  }
0x62: {  	_ =	shalt  }
0x63: {  	_ =	shalt  }
0x64: {  	_ =	shalt  }
0x65: {  	_ =	shalt  }
0x66: {  	_ =	shalt  }
0x67: {  	_ =	shalt  }
0x68: {  	_ =	shalt  }
0x69: {  	_ =	shalt  }
0x6a: {  	_ =	shalt  }
0x6b: {  	_ =	shalt  }
0x6c: {  	_ =	shalt  }
0x6d: {  	_ =	shalt  }
0x6e: {  	_ =	shalt  }
0x6f: {  	_ =	shalt  }
0x70: {  	_ =	shalt  }
0x71: {  	_ =	shalt  }
0x72: {  	_ =	shalt  }
0x73: {  	_ =	shalt  }
0x74: {  	_ =	shalt  }
0x75: {  	_ =	shalt  }
0x76: {  	_ =	shalt  }
0x77: {  	_ =	shalt  }
0x78: {  	_ =	shalt  }
0x79: {  	_ =	shalt  }
0x7a: {  	_ =	shalt  }
0x7b: {  	_ =	shalt  }
0x7c: {  	_ =	shalt  }
0x7d: {  	_ =	shalt  }
0x7e: {  	_ =	shalt  }
0x7f: {  	_ =	shalt  }
0x80: {  	_ =	shalt  }
0x81: {  	_ =	shalt  }
0x82: {  	_ =	shalt  }
0x83: {  	_ =	shalt  }
0x84: {  	_ =	shalt  }
0x85: {  	_ =	shalt  }
0x86: {  	_ =	shalt  }
0x87: {  	_ =	shalt  }
.Lfunc_end0:
.L_simem_size_0:
called_computation_lowered:
.L_overlay_start_0:
0x88: {  	s2 =	sld [smem:$0x3FD9]  }
0x89: {  	s3 =	sld [smem:$0x3FFE];
	_ =	sdelay $0x1  }
0x8a: {  	s1 =	srdreg.scid  }
0x8b: {  	s0 =	sand.u32 $0x1, s1  }
0x8c: {  	s14 =	sshll.u32 s0, $0xA;
	s2 =	sadd.s32 s3, s2  }
0x8d: {  	s2 =	sadd.s32 s2, s14  }
0x8e: {  	[smem:$0x3FC4] =	sst s2  }
0x8f: {  	_ = 	snop  }
0x90: {  	s2 =	sld [smem:$0x3FD0];
	_ =	sdelay $0x2  }
0x91: {  	s15 =	simm.s32 $0xA;
	s4 =	simm.s32 $0x10  }
0x92: {  	[smem:s4], [sflag:s15] =	dma.local [hbm:s2], $0x1  }
0x93: {  	_ =	swait.eq [sflag:s15], $0x1  }
0x94: {  	[sflag:s15] =	ssyncset.done $0x0  }
0x95: {  	[sflag:s15] =	ssyncadd.s32 $0xFFFFFFFF  }
0x96: {  	s16 =	sld [smem:$0x10];
	(tm) =	ssettm $0x1  }
0x97: {  	s17 =	sld [smem:$0x3FFB];
	_ =	sdelay $0x3  }
0x98: {  	_ =	strace s17  }
0x99: {  	s3 =	sld [smem:$0x3FFC];
	_ =	sdelay $0x3  }
0x9a: {  	_ =	strace s3  }
0x9b: {  	s3 =	sld [smem:$0x3FFD];
	_ =	sdelay $0x3  }
0x9c: {  	_ =	strace s3  }
0x9d: {  	_ =	strace $0x8FFFFFFF  }
0x9e: {  	s18 =	sld [smem:$0x3FDB];
	_ =	sdelay $0x1  }
0x9f: {  	s19 =	simm.s32 $_scs_section_size  }
0xa0: {  	s5 =	simm.s32 $_size__tile_overlayer_lowered;
	s6 =	simm.s32 $_tile_overlayer_lowered  }
0xa1: {  	s22 =	simm.s32 $0x1BFF;
	s21 =	sshll.u32 s6, $0x1;
	s3 =	sadd.s32 s19, s18  }
0xa2: {  	s7 =	simm.s32 $0x0;
	s20 =	sshll.u32 s5, $0x1;
	s5 =	sadd.s32 s21, s3  }
0xa3: {  	[timem:s7], [sflag:s22] =	dma.local [hbm:s5], s20  }
0xa4: {  	_ =	swait.ge [sflag:s22], s20  }
0xa5: {  	s4 =	ssub.s32 $0x0, s20;
	[sflag:s22] =	ssyncset.done $0x0  }
0xa6: {  	[sflag:s22] =	ssyncadd.s32 s4;
	_ =	sdelay $0x1  }
0xa7: {  	s23 =	simm.s32 $0x1B8B  }
0xa8: {  	_ =	swait.ge [sflag:s23], $0x1  }
0xa9: {  	[sflag:s23] =	ssyncset.done $0x0  }
0xaa: {  	s25 =	simm.s32 $0x1B8E;
	s24 =	sld [smem:$0x3FFE];
	[sflag:s23] =	ssyncadd.s32 $0xFFFFFFFF  }
0xab: {  	s26 =	simm.s32 $execute0_lowered;
	[smem:$0x3FD2] =	sst s25  }
0xac: {  	s5 =	sshll.u32 s26, $0x1;
	_ =	strace $0x80000046;
	[dreg:$0x1] =	wrdreg $0xFFFFFFFF  }
0xad: {  	s28 =	simm.s32 $_size_execute0_lowered;
	s3 =	sadd.s32 s3, s5;
	[dreg:$0x0] =	wrdreg $0x0  }
0xae: {  	s5 =	sshll.u32 s28, $0x1;
	[dreg:$0x2] =	wrdreg s3  }
0xaf: {  	[dreg:$0x3] =	wrdreg s5  }
0xb0: {  	[dreg:$0x4] =	wrdreg $0xC0  }
0xb1: {  	_ =	task [dreg:s7], $0x5FFFF  }
0xb2: {  	[dreg:$0x1] =	wrdreg $0xFFFFFFFF  }
0xb3: {  	[dreg:$0x0] =	wrdreg $0x60  }
0xb4: {  	[dreg:$0x2] =	wrdreg s24  }
0xb5: {  	[dreg:$0x3] =	wrdreg s16  }
0xb6: {  	[dreg:$0x4] =	wrdreg $0x9  }
0xb7: {  	_ =	task.clear_ibuf [dreg:s7], $0x5FFFF;
	_ =	strace $0x90000046  }
0xb8: {  	s29 =	simm.s32 $0x9;
	_ =	strace $0x80000048  }
0xb9: {  	_ =	swait.ge [sflag:s29], $0x1  }
0xba: {  	[sflag:s29] =	ssyncadd.s32 $0xFFFFFFFF  }
0xbb: {  	_ =	strace $0x90000048  }
0xbc: {  	_ =	sfence  }
0xbd: {  	s30 =	sld [smem:$0x0];
	_ =	sdelay $0x2  }
0xbe: {  	s31 =	sshll.u32 s1, $0xD;
	s1 =	sshrl.u32 s1, $0x2  }
0xbf: {  	s3 =	sand.u32 $0x4000, s31;
	s1 =	sadd.s32 s1, s30  }
0xc0: {  	s0 =	sor.u32 s3, s0;
	s1 =	sshll.u32 s1, $0x11  }
0xc1: {  	s0 =	sor.u32 s1, s0  }
0xc2: {  	s0 =	sadd.s32 $0x8F2B, s0  }
0xc3: {  	[sflag:s0] =	ssyncadd.remote.s32 $0x1  }
0xc4: {  	_ =	sfence.sel $0xFFFF  }
0xc5: {  	[dreg:$0x0] =	wrdreg $0xFFFFFFFF;
	(pc) =	sbr.abs _section_cstart, $3  }
0xc6: {  	[dreg:$0x1] =	wrdreg $0xFFFFFFFF  }
0xc7: {  	_ =	task.clear_ibuf [dreg:s7], $0x2FFFF;
	_ =	strace $0x9FFFFFFF  }
0xc8: {  	(tm) =	ssettm $0x7FFFFFFF  }
0xc9: {  	_ =	shalt  }
tec
execute0_lowered:
.L_overlay_start_1:
0x0: {  	(tag) =	ssettag $0x1  }
0x1: {  	s3 =	rddreg [dreg:$0x0]  }
0x2: {  	s10 =	rddreg [dreg:$0x1]  }
0x3: {  	s0 =	rddreg [dreg:$0x2]  }
0x4: {  	s2 =	simm.s32 $0x0;
	s4 =	srdreg.scid;
	s1 =	stileid.u32  }
0x5: {  	[smem:$0x7FF] =	sst s2;
	s4 =	sand.u32 $0x1, s4;
	s8 =	smul.u32 $0x2800, s1  }
0x6: {  	s9 =	smul.u32 $0x14000, s1;
	s11 =	sadd.s32 $0x1600, s3;
	s5 =	ssub.s32 $0x2, s4  }
0x7: {  	_ =	strace $0x80000047;
	s7 =	sshll.u32 s4, $0x9;
	s23 =	sshrl.u32 s5, $0x1  }
0x8: {  	s24 =	sor.u32 s7, s8;
	s4 =	sor.u32 s7, s9;
	s25 =	sor.u32 $0x80, s7  }
0x9: {  	s14 =	sor.u32 $0x100, s7;
	s15 =	sor.u32 $0x180, s7;
	s12 =	ssub.s32 s5, s23  }
0xa: {  	s3 =	sshrl.u32 s24, $0x3;
	s4 =	sshrl.u32 s4, $0x3;
	s6 =	sor.u32 s8, s25  }
0xb: {  	s13 =	sor.u32 s9, s25;
	s28 =	sor.u32 s8, s14;
	s29 =	sor.u32 s9, s14  }
0xc: {  	s8 =	sor.u32 s8, s15;
	s15 =	sor.u32 s9, s15;
	s14 =	simm.s32 $0x1  }
0xd: {  	s3 =	sadd.s32 s11, s3;
	s4 =	sadd.s32 s10, s4;
	s6 =	sshrl.u32 s6, $0x3  }
0xe: {  	s26 =	sshrl.u32 s13, $0x3;
	s13 =	sshrl.u32 s28, $0x3;
	s30 =	sshrl.u32 s8, $0x3  }
0xf: {  	s31 =	sshrl.u32 s15, $0x3;
	s15 =	simm.s32 $0x500;
	s5 =	sadd.s32 s11, s6  }
0x10: {  	s6 =	sadd.s32 s10, s26;
	s7 =	sadd.s32 s11, s13;
	s13 =	sshrl.u32 s29, $0x3  }
0x11: {  	s9 =	sadd.s32 s11, s30;
	s11 =	smax.u32 s12, $0x1;
	s12 =	simm.s32 $0x80  }
0x12: {  	v0 =	vimm.f32 $0.0e+00;
	v1 =	vimm.f32 $1.000000000e+00;
	s8 =	sadd.s32 s10, s13;
	s10 =	sadd.s32 s10, s31;
	s13 =	simm.s32 $0x400  }
.LBB2_1:
0x13: {  	s16 =	simm.s32 $0x40;
	s17 =	simm.s32 $0x0  }
.LBB2_2:
0x14: {  	p0 =	sne.s32 s16, $0x9FC0;
	[tilespmem:s17+$0x500] =	vst v0;
	s17 =	smov.u32 s16;
	s16 =	sadd.s32 $0x40, s16  }
.Ltmp0:
0x15: {  	(pc) =	sbr.rel @p0 .LBB2_2-.Ltmp0, $2  }
0x16: {  	_ =	sdelay $0x2  }
0x17: {  	s17 =	sshra.s32 s17, $0x2  }
0x18: {  	[tilespmem:s17+$0x500] =	vst v0;
	s16 =	simm.s32 $0x0  }
0x19: {  	[tilespmem:s16], [sflag:$0x1] =	stream.strided.gather [hbm4b:s3+s12], $0x500, s13, s12, $0x38;
	[tilespmem:$0x2D00] =	vst v63  }
0x1a: {  	_ =	swait.ge [sflag:s14], $0x500  }
0x1b: {  	[sflag:s14] =	ssyncset.done $0x0  }
0x1c: {  	s17 =	simm.s32 $0x0;
	s16 =	simm.s32 $0x40;
	[sflag:s14] =	ssyncadd.s32 $0xFFFFFB00  }
.LBB2_4:
0x1d: {  	p0 =	sne.s32 s16, $0x13C0;
	v2 =	vld [tilespmem:s17+$0x0];
	_ =	sdelay $0x3  }
.Ltmp1:
0x1e: {  	(pc) =	sbr.rel @p0 .LBB2_4-.Ltmp1, $2  }
0x1f: {  	_ =	sdelay $0x2  }
0x20: {  	s17 =	sshra.s32 s16, $0x2;
	s16 =	sadd.s32 $0x40, s16;
	[tilespmem:v2+s15+$0x0] =	vst.idx.add.f32.msk $0xffff, v1  }
0x21: {  	v2 =	vld [tilespmem:s17+$0x0];
	_ =	sdelay $0x7  }
0x22: {  	[tilespmem:v2+s15+$0x0] =	vst.idx.add.f32.msk $0xffff, v1  }
0x23: {  	[hbm4b:s4+s12] =	stream.strided.scatter [tilespmem:s15], [sflag:$0x1], $0x2800, s13, s12, $0x38;
	[tilespmem:$0x2D00] =	vst v63  }
0x24: {  	_ =	swait.ge [sflag:s14], $0x2800  }
0x25: {  	[sflag:s14] =	ssyncset.done $0x0  }
0x26: {  	s17 =	simm.s32 $0x0;
	s16 =	simm.s32 $0x40;
	[sflag:s14] =	ssyncadd.s32 $0xFFFFD800  }
.LBB2_6:
0x27: {  	p0 =	sne.s32 s16, $0x13C0;
	v2 =	vld [tilespmem:s17+$0x0];
	_ =	sdelay $0x3  }
.Ltmp2:
0x28: {  	(pc) =	sbr.rel @p0 .LBB2_6-.Ltmp2, $2  }
0x29: {  	_ =	sdelay $0x2  }
0x2a: {  	s17 =	sshra.s32 s16, $0x2;
	s16 =	sadd.s32 $0x40, s16;
	[tilespmem:v2+s15+$0x0] =	vst.idx.msk $0xffff, v0  }
0x2b: {  	v2 =	vld [tilespmem:s17+$0x0];
	_ =	sdelay $0x7  }
0x2c: {  	s16 =	simm.s32 $0x0;
	[tilespmem:v2+s15+$0x0] =	vst.idx.msk $0xffff, v0  }
0x2d: {  	[tilespmem:s16], [sflag:$0x1] =	stream.strided.gather [hbm4b:s5+s12], $0x500, s13, s12, $0x38;
	[tilespmem:$0x2D00] =	vst v63  }
0x2e: {  	_ =	swait.ge [sflag:s14], $0x500  }
0x2f: {  	[sflag:s14] =	ssyncset.done $0x0  }
0x30: {  	s17 =	simm.s32 $0x0;
	s16 =	simm.s32 $0x40;
	[sflag:s14] =	ssyncadd.s32 $0xFFFFFB00  }
.LBB2_8:
0x31: {  	p0 =	sne.s32 s16, $0x13C0;
	v2 =	vld [tilespmem:s17+$0x0];
	_ =	sdelay $0x3  }
.Ltmp3:
0x32: {  	(pc) =	sbr.rel @p0 .LBB2_8-.Ltmp3, $2  }
0x33: {  	_ =	sdelay $0x2  }
0x34: {  	s17 =	sshra.s32 s16, $0x2;
	s16 =	sadd.s32 $0x40, s16;
	[tilespmem:v2+s15+$0x0] =	vst.idx.add.f32.msk $0xffff, v1  }
0x35: {  	v2 =	vld [tilespmem:s17+$0x0];
	_ =	sdelay $0x7  }
0x36: {  	[tilespmem:v2+s15+$0x0] =	vst.idx.add.f32.msk $0xffff, v1  }
0x37: {  	[hbm4b:s6+s12] =	stream.strided.scatter [tilespmem:s15], [sflag:$0x1], $0x2800, s13, s12, $0x38;
	[tilespmem:$0x2D00] =	vst v63  }
0x38: {  	_ =	swait.ge [sflag:s14], $0x2800  }
0x39: {  	[sflag:s14] =	ssyncset.done $0x0  }
0x3a: {  	s17 =	simm.s32 $0x0;
	s16 =	simm.s32 $0x40;
	[sflag:s14] =	ssyncadd.s32 $0xFFFFD800  }
.LBB2_10:
0x3b: {  	p0 =	sne.s32 s16, $0x13C0;
	v2 =	vld [tilespmem:s17+$0x0];
	_ =	sdelay $0x3  }
.Ltmp4:
0x3c: {  	(pc) =	sbr.rel @p0 .LBB2_10-.Ltmp4, $2  }
0x3d: {  	_ =	sdelay $0x2  }
0x3e: {  	s17 =	sshra.s32 s16, $0x2;
	s16 =	sadd.s32 $0x40, s16;
	[tilespmem:v2+s15+$0x0] =	vst.idx.msk $0xffff, v0  }
0x3f: {  	v2 =	vld [tilespmem:s17+$0x0];
	_ =	sdelay $0x7  }
0x40: {  	s16 =	simm.s32 $0x0;
	[tilespmem:v2+s15+$0x0] =	vst.idx.msk $0xffff, v0  }
0x41: {  	[tilespmem:s16], [sflag:$0x1] =	stream.strided.gather [hbm4b:s7+s12], $0x500, s13, s12, $0x38;
	[tilespmem:$0x2D00] =	vst v63  }
0x42: {  	_ =	swait.ge [sflag:s14], $0x500  }
0x43: {  	[sflag:s14] =	ssyncset.done $0x0  }
0x44: {  	s17 =	simm.s32 $0x0;
	s16 =	simm.s32 $0x40;
	[sflag:s14] =	ssyncadd.s32 $0xFFFFFB00  }
.LBB2_12:
0x45: {  	p0 =	sne.s32 s16, $0x13C0;
	v2 =	vld [tilespmem:s17+$0x0];
	_ =	sdelay $0x3  }
.Ltmp5:
0x46: {  	(pc) =	sbr.rel @p0 .LBB2_12-.Ltmp5, $2  }
0x47: {  	_ =	sdelay $0x2  }
0x48: {  	s17 =	sshra.s32 s16, $0x2;
	s16 =	sadd.s32 $0x40, s16;
	[tilespmem:v2+s15+$0x0] =	vst.idx.add.f32.msk $0xffff, v1  }
0x49: {  	v2 =	vld [tilespmem:s17+$0x0];
	_ =	sdelay $0x7  }
0x4a: {  	[tilespmem:v2+s15+$0x0] =	vst.idx.add.f32.msk $0xffff, v1  }
0x4b: {  	[hbm4b:s8+s12] =	stream.strided.scatter [tilespmem:s15], [sflag:$0x1], $0x2800, s13, s12, $0x38;
	[tilespmem:$0x2D00] =	vst v63  }
0x4c: {  	_ =	swait.ge [sflag:s14], $0x2800  }
0x4d: {  	[sflag:s14] =	ssyncset.done $0x0  }
0x4e: {  	s17 =	simm.s32 $0x0;
	s16 =	simm.s32 $0x40;
	[sflag:s14] =	ssyncadd.s32 $0xFFFFD800  }
.LBB2_14:
0x4f: {  	p0 =	sne.s32 s16, $0x13C0;
	v2 =	vld [tilespmem:s17+$0x0];
	_ =	sdelay $0x3  }
.Ltmp6:
0x50: {  	(pc) =	sbr.rel @p0 .LBB2_14-.Ltmp6, $2  }
0x51: {  	_ =	sdelay $0x2  }
0x52: {  	s17 =	sshra.s32 s16, $0x2;
	s16 =	sadd.s32 $0x40, s16;
	[tilespmem:v2+s15+$0x0] =	vst.idx.msk $0xffff, v0  }
0x53: {  	v2 =	vld [tilespmem:s17+$0x0];
	_ =	sdelay $0x7  }
0x54: {  	s16 =	simm.s32 $0x0;
	[tilespmem:v2+s15+$0x0] =	vst.idx.msk $0xffff, v0  }
0x55: {  	[tilespmem:s16], [sflag:$0x1] =	stream.strided.gather [hbm4b:s9+s12], $0x500, s13, s12, $0x38;
	[tilespmem:$0x2D00] =	vst v63  }
0x56: {  	_ =	swait.ge [sflag:s14], $0x500  }
0x57: {  	[sflag:s14] =	ssyncset.done $0x0  }
0x58: {  	s17 =	simm.s32 $0x0;
	s16 =	simm.s32 $0x40;
	[sflag:s14] =	ssyncadd.s32 $0xFFFFFB00  }
.LBB2_16:
0x59: {  	p0 =	sne.s32 s16, $0x13C0;
	v2 =	vld [tilespmem:s17+$0x0];
	_ =	sdelay $0x3  }
.Ltmp7:
0x5a: {  	(pc) =	sbr.rel @p0 .LBB2_16-.Ltmp7, $2  }
0x5b: {  	_ =	sdelay $0x2  }
0x5c: {  	s17 =	sshra.s32 s16, $0x2;
	s16 =	sadd.s32 $0x40, s16;
	[tilespmem:v2+s15+$0x0] =	vst.idx.add.f32.msk $0xffff, v1  }
0x5d: {  	v2 =	vld [tilespmem:s17+$0x0];
	_ =	sdelay $0x7  }
0x5e: {  	[tilespmem:v2+s15+$0x0] =	vst.idx.add.f32.msk $0xffff, v1  }
0x5f: {  	[hbm4b:s10+s12] =	stream.strided.scatter [tilespmem:s15], [sflag:$0x1], $0x2800, s13, s12, $0x38;
	[tilespmem:$0x2D00] =	vst v63  }
0x60: {  	_ =	swait.ge [sflag:s14], $0x2800  }
0x61: {  	[sflag:s14] =	ssyncset.done $0x0  }
0x62: {  	s17 =	simm.s32 $0x0;
	s16 =	simm.s32 $0x40;
	[sflag:s14] =	ssyncadd.s32 $0xFFFFD800  }
.LBB2_18:
0x63: {  	p0 =	sne.s32 s16, $0x13C0;
	v2 =	vld [tilespmem:s17+$0x0];
	_ =	sdelay $0x3  }
.Ltmp8:
0x64: {  	(pc) =	sbr.rel @p0 .LBB2_18-.Ltmp8, $2  }
0x65: {  	_ =	sdelay $0x2  }
0x66: {  	s17 =	sshra.s32 s16, $0x2;
	s16 =	sadd.s32 $0x40, s16;
	[tilespmem:v2+s15+$0x0] =	vst.idx.msk $0xffff, v0  }
0x67: {  	v2 =	vld [tilespmem:s17+$0x0];
	_ =	sdelay $0x1  }
0x68: {  	s2 =	sadd.s32 $0x1, s2  }
0x69: {  	p0 =	sne.s32 s2, s11  }
.Ltmp9:
0x6a: {  	_ = 	snop;
	(pc) =	sbr.rel @p0 .LBB2_1-.Ltmp9, $2  }
0x6b: {  	_ =	sdelay $0x2  }
0x6c: {  	[tilespmem:v2+s15+$0x0] =	vst.idx.msk $0xffff, v0  }
0x6d: {  	_ =	sfence.sel $0x180000  }
0x6e: {  	[bflag:$0x0] =	sbarrier.arrive $0xFFFF  }
0x6f: {  	p0 =	sne.s32 s1, $0x0;
	_ =	strace $0x90000047  }
0x70: {  	s0 =	sadd.s32 @!p0 $0x100000, s0;
	[bflag:$0x2] =	sbarrier.arrive $0xFFFF  }
0x71: {  	[sflag:s0] =	ssyncadd.tile.s32 @!p0 $0x1;
	_ =	shalt  }
.Lfunc_end2:
_tile_overlayer_lowered:
.L_overlay_start_2:
0x72: {  	(tag) =	ssettag $0x2  }
0x73: {  	s0 =	rddreg [dreg:$0x0];
	s2 =	stileid.u32  }
0x74: {  	s1 =	rddreg [dreg:$0x1];
	p0 =	sne.s32 s2, $0x0  }
0x75: {  	s3 =	rddreg [dreg:$0x2];
	[bflag:$0x3] =	sbarrier.arrive $0xFFFF;
	s2 =	simm.s32 @!p0 $0x1C01  }
0x76: {  	[timem:s3], [sflag:s2] =	dma.local @!p0 [hbm:s0], s1  }
0x77: {  	s0 =	simm.s32 @!p0 $0x1  }
0x78: {  	_ =	swait.ge @!p0 [sflag:s0], s1  }
0x79: {  	s1 =	ssub.s32 @!p0 $0x0, s1;
	[sflag:s0] =	ssyncset.done @!p0 $0x0  }
0x7a: {  	[sflag:s0] =	ssyncadd.s32 @!p0 s1  }
0x7b: {  	[bflag:$0x3] =	sbarrier.arrive $0xFFFF  }
0x7c: {  	_ =	shalt  }

</sc_bundles>
